<compile_context>
chip_gen: v7x
topology: tpu7x:2x2x1
jax: 0.10.2.dev20260603
libtpu: 0.0.44.dev20260713+nightly
codegen_flags: <defaults>
</compile_context>

<pallas_src>
import functools
import jax
import jax.numpy as jnp
from jax import lax
from jax.experimental import pallas as pl
from jax.experimental.pallas import tpu as pltpu
from jax.experimental.pallas import tpu_sc as plsc

B_, N_, K_, D_ = 16, 1000, 32, 128
N2 = 1024
NW = 32
RPW = (B_ * N_) // NW
EBLK = 512
BIG = 1e30
CAP = 192
TRIG = CAP - 32


def _merge16(A, Ai, Bv, Bi, C, Ci):
    Cr = lax.rev(C, dimensions=(0,))
    Cri = lax.rev(Ci, dimensions=(0,))
    m = Bv <= Cr
    L = jnp.where(m, Bv, Cr)
    Li = jnp.where(m, Bi, Cri)
    Ls, Lsi = plsc.sort_key_val(L, Li)
    Lr = lax.rev(Ls, dimensions=(0,))
    Lri = lax.rev(Lsi, dimensions=(0,))
    m2 = A <= Lr
    A2 = jnp.where(m2, A, Lr)
    A2i = jnp.where(m2, Ai, Lri)
    B2 = jnp.where(m2, Lr, A)
    B2i = jnp.where(m2, Lri, Ai)
    A3, A3i = plsc.sort_key_val(A2, A2i)
    B3, B3i = plsc.sort_key_val(B2, B2i)
    return A3, A3i, B3, B3i


def _drain(bufv, bufi, A, Ai, Bv, Bi, ptr):
    nch = (ptr + 15) // 16

    def fold(cc, carry):
        A, Ai, Bv, Bi = carry
        v = bufv[pl.ds(cc * 16, 16)]
        vi = bufi[pl.ds(cc * 16, 16)]
        lanes = cc * 16 + lax.iota(jnp.int32, 16)
        v = jnp.where(lanes < ptr, v, BIG)
        vs, vsi = plsc.sort_key_val(v, vi)
        return _merge16(A, Ai, Bv, Bi, vs, vsi)

    A, Ai, Bv, Bi = lax.fori_loop(0, nch, fold, (A, Ai, Bv, Bi))
    thr = jnp.max(Bv)
    return A, Ai, Bv, Bi, thr, jnp.int32(0)


def _sc_body(xpad, ypad, vals_out, idx_out,
             xs_v, ys_v, bufv, bufi, vstage, istage, sem):
    wid = lax.axis_index("s") * 2 + lax.axis_index("c")
    row0 = wid * RPW
    g = row0 // N_
    lbase = row0 - g * N_

    pltpu.sync_copy(xpad.at[g], xs_v)
    pltpu.sync_copy(ypad.at[g], ys_v)

    def row_body(rl, _):
        i = lbase + rl
        xi = xs_v[pl.ds(i, 16)][0]
        yi = ys_v[pl.ds(i, 16)][0]
        A0 = jnp.full((16,), BIG, jnp.float32)
        I0 = jnp.zeros((16,), jnp.int32)

        def chunk(c, carry):
            A, Ai, Bv, Bi, thr, ptr = carry
            xs = xs_v[pl.ds(c * 16, 16)]
            ys = ys_v[pl.ds(c * 16, 16)]
            dx = xs - xi
            dy = ys - yi
            d2 = dx * dx + dy * dy
            cols = c * 16 + lax.iota(jnp.int32, 16)
            d2 = jnp.where((cols == i) | (cols >= N_), BIG, d2)
            m = d2 < thr
            mi = m.astype(jnp.int32)
            cum = plsc.cumsum(mi)
            slots = ptr + cum - mi
            plsc.store_scatter(bufv, [slots], d2, mask=m)
            plsc.store_scatter(bufi, [slots], cols, mask=m)
            ptr = ptr + jnp.max(cum)
            return lax.cond(
                ptr >= TRIG,
                lambda a, ai, b, bi, p: _drain(bufv, bufi, a, ai, b, bi, p),
                lambda a, ai, b, bi, p: (a, ai, b, bi, thr, p),
                A, Ai, Bv, Bi, ptr)

        carry = (A0, I0, A0, I0, jnp.float32(BIG), jnp.int32(0))
        A, Ai, Bv, Bi, thr, ptr = lax.fori_loop(0, N2 // 16, chunk, carry)
        A, Ai, Bv, Bi, thr, ptr = _drain(bufv, bufi, A, Ai, Bv, Bi, ptr)

        vstage[pl.ds(rl * 32, 16)] = A
        vstage[pl.ds(rl * 32 + 16, 16)] = Bv
        istage[pl.ds(rl * 32, 16)] = Ai + g * N_
        istage[pl.ds(rl * 32 + 16, 16)] = Bi + g * N_
        return 0

    lax.fori_loop(0, RPW, row_body, 0)
    pltpu.sync_copy(vstage, vals_out.at[pl.ds(row0 * K_, RPW * K_)])
    pltpu.sync_copy(istage, idx_out.at[pl.ds(row0 * K_, RPW * K_)])


_sc_topk = functools.partial(
    pl.kernel,
    out_type=[
        jax.ShapeDtypeStruct((B_ * N_ * K_,), jnp.float32),
        jax.ShapeDtypeStruct((B_ * N_ * K_,), jnp.int32),
    ],
    mesh=plsc.VectorSubcoreMesh(core_axis_name="c", subcore_axis_name="s"),
    compiler_params=pltpu.CompilerParams(needs_layout_passes=False),
    scratch_types=[
        pltpu.VMEM((N2,), jnp.float32),
        pltpu.VMEM((N2,), jnp.float32),
        pltpu.VMEM((CAP,), jnp.float32),
        pltpu.VMEM((CAP,), jnp.int32),
        pltpu.VMEM((RPW * K_,), jnp.float32),
        pltpu.VMEM((RPW * K_,), jnp.int32),
        pltpu.SemaphoreType.DMA,
    ],
)(_sc_body)


def _edge_body(va_ref, w_ref, bias_ref, emb_ref, src_ref):
    gg = pl.program_id(0)
    d = jnp.sqrt(va_ref[...] + 1e-12)
    emb_ref[...] = d * w_ref[...] + bias_ref[...]
    rio = lax.broadcasted_iota(jnp.int32, (EBLK, 1), 0)
    src_ref[...] = lax.shift_right_logical(gg * EBLK + rio, 5)


@jax.jit
def kernel(locs, init_embeddings, W, b):
    x = init_embeddings.reshape(B_ * N_, D_)

    xpad = jnp.pad(locs[:, :, 0], ((0, 0), (0, N2 - N_)))
    ypad = jnp.pad(locs[:, :, 1], ((0, 0), (0, N2 - N_)))

    d2vals, dst = _sc_topk(xpad, ypad)

    E = B_ * N_ * K_
    va = d2vals.reshape(E, 1)
    emb, src = pl.pallas_call(
        _edge_body,
        grid=(E // EBLK,),
        in_specs=[
            pl.BlockSpec((EBLK, 1), lambda gg: (gg, 0)),
            pl.BlockSpec((1, D_), lambda gg: (0, 0)),
            pl.BlockSpec((1, D_), lambda gg: (0, 0)),
        ],
        out_specs=[
            pl.BlockSpec((EBLK, D_), lambda gg: (gg, 0)),
            pl.BlockSpec((EBLK, 1), lambda gg: (gg, 0)),
        ],
        out_shape=[
            jax.ShapeDtypeStruct((E, D_), jnp.float32),
            jax.ShapeDtypeStruct((E, 1), jnp.int32),
        ],
    )(va, W, b.reshape(1, D_))

    edge_index = jnp.stack([src.reshape(-1), dst], axis=0)
    return x, edge_index, emb

# --- scband reference (transcript-rebuilt; emitter-appended) ---
"""Pipeline reference for scband-edge-embedding-61899068670358 (READ-ONLY COPY).

The authoritative reference and input builder live on the scoring server;
editing this copy changes nothing except your own understanding.
"""

import jax, jax.numpy as jnp
import numpy as np

B, N, K, EMBED_DIM = 16, 1000, 32, 128

def setup_inputs(seed: int = 0) -> dict:
    key = jax.random.key(seed)
    k1, k2, k3, k4 = jax.random.split(key, 4)
    locs = jax.random.uniform(k1, (B, N, 2), dtype=jnp.float32)
    init_embeddings = jax.random.normal(k2, (B, N, EMBED_DIM), dtype=jnp.float32)
    # edge_embed = nn.Linear(node_dim=1, embed_dim) parameters
    W = jax.random.normal(k3, (1, EMBED_DIM), dtype=jnp.float32)
    b = jax.random.normal(k4, (EMBED_DIM,), dtype=jnp.float32) * 0.01
    return {"locs": locs, "init_embeddings": init_embeddings, "W": W, "b": b}

def reference(locs, init_embeddings, W, b):
    # get_distance_matrix(td['locs']) -> [B, N, N] euclidean distances
    diff = locs[:, :, None, :] - locs[:, None, :, :]
    dist = jnp.sqrt(jnp.sum(diff * diff, axis=-1) + 1e-12)
    # sparsify_graph(cost_matrix, k_sparse, self_loop=False):
    # exclude self loops by pushing the diagonal to +inf-like values
    dist_masked = dist + jnp.eye(N, dtype=dist.dtype)[None, :, :] * 1e9
    # k nearest neighbors per node (smallest distances)
    neg_vals, nbr_idx = jax.lax.top_k(-dist_masked, K)  # [B, N, K]
    edge_attr = (-neg_vals).reshape(B * N * K, 1)       # raw edge features [E_total, 1]
    # per-graph edge_index, then Batch.from_data_list node-index offsets
    src = jnp.repeat(jnp.arange(N), K)                  # [N*K]
    offsets = (jnp.arange(B) * N)[:, None]              # [B, 1]
    src_all = (src[None, :] + offsets).reshape(-1)
    dst_all = (nbr_idx.reshape(B, N * K) + offsets).reshape(-1)
    edge_index = jnp.stack([src_all, dst_all], axis=0)  # [2, B*N*K]
    # batch.x = concatenated node embeddings
    x = init_embeddings.reshape(B * N, EMBED_DIM)
    # batch.edge_attr = self.edge_embed(batch.edge_attr)
    edge_emb = edge_attr @ W + b                        # [B*N*K, EMBED_DIM]
    return x, edge_index, edge_emb

if __name__ == "__main__":
    import jax
    _d = setup_inputs()
    print(jax.jit(kernel)(*tuple(_d.values())))

</pallas_src>

<mosaic_0001>
#map = affine_map<(d0, d1) -> (0, 0)>
#map1 = affine_map<(d0, d1) -> (0)>
module attributes {stable_mosaic.version = 14 : i64} {
  func.func @_sc_body(%arg0: i32, %arg1: i32, %arg2: memref<16x1024xf32, #tpu.memory_space<hbm>>, %arg3: memref<16x1024xf32, #tpu.memory_space<hbm>>, %arg4: memref<512000xf32, #tpu.memory_space<hbm>>, %arg5: memref<512000xi32, #tpu.memory_space<hbm>>, %arg6: memref<1024xf32, #tpu.memory_space<vmem>>, %arg7: memref<1024xf32, #tpu.memory_space<vmem>>, %arg8: memref<192xf32, #tpu.memory_space<vmem>>, %arg9: memref<192xi32, #tpu.memory_space<vmem>>, %arg10: memref<16000xf32, #tpu.memory_space<vmem>>, %arg11: memref<16000xi32, #tpu.memory_space<vmem>>, %arg12: memref<!tpu.dma_semaphore, #tpu.memory_space<semaphore_mem>>) attributes {dimension_semantics = [#tpu.dimension_semantics<core_parallel>, #tpu.dimension_semantics<subcore_parallel>], iteration_bounds = array<i64: 2, 16>, scalar_prefetch = 0 : i64, scratch_operands = 7 : i64, tpu.core_type = #tpu.core_type<sc_vector_subcore>, window_params = [{transform_indices = #map}, {transform_indices = #map}, {transform_indices = #map1}, {transform_indices = #map1}]} {
    %mul3A = arith.constant 2 : i32
    %mul3A_0 = arith.muli %arg1, %mul3A : i32
    %add3A = arith.addi %mul3A_0, %arg0 : i32
    %mul3A_1 = arith.constant 500 : i32
    %mul3A_2 = arith.muli %add3A, %mul3A_1 : i32
    %jit3A = arith.constant 1000 : i32
    %div3A = arith.divsi %mul3A_2, %jit3A : i32
    %sign3A = arith.constant 0 : i32
    %sign3A_3 = arith.cmpi sgt, %mul3A_2, %sign3A : i32
    %sign3A_4 = arith.extui %sign3A_3 : i1 to i32
    %sign3A_5 = arith.constant 0 : i32
    %sign3A_6 = arith.cmpi slt, %mul3A_2, %sign3A_5 : i32
    %sign3A_7 = arith.extui %sign3A_6 : i1 to i32
    %sign3A_8 = arith.subi %sign3A_4, %sign3A_7 : i32
    %sign3A_9 = arith.constant 0 : i32
    %sign3A_10 = arith.cmpi sgt, %jit3A, %sign3A_9 : i32
    %sign3A_11 = arith.extui %sign3A_10 : i1 to i32
    %sign3A_12 = arith.constant 0 : i32
    %sign3A_13 = arith.cmpi slt, %jit3A, %sign3A_12 : i32
    %sign3A_14 = arith.extui %sign3A_13 : i1 to i32
    %sign3A_15 = arith.subi %sign3A_11, %sign3A_14 : i32
    %ne3A = arith.cmpi ne, %sign3A_8, %sign3A_15 : i32
    %rem3A = arith.remsi %mul3A_2, %jit3A : i32
    %ne3A_16 = arith.constant 0 : i32
    %ne3A_17 = arith.cmpi ne, %rem3A, %ne3A_16 : i32
    %and3A = arith.andi %ne3A, %ne3A_17 : i1
    %sub3A = arith.constant 1 : i32
    %sub3A_18 = arith.subi %div3A, %sub3A : i32
    %select_n3A = arith.select %and3A, %sub3A_18, %div3A : i32
    %mul3A_19 = arith.constant 1000 : i32
    %mul3A_20 = arith.muli %select_n3A, %mul3A_19 : i32
    %sub3A_21 = arith.subi %mul3A_2, %mul3A_20 : i32
    "tpu.region"() ({
      %run_scoped3A = tpu.sem_alloc : memref<!tpu.dma_semaphore, #tpu.memory_space<semaphore_mem>>
      %dma_start3A = arith.constant 0 : i32
      %dma_start3A_32 = tpu.memref_slice %arg2[%select_n3A, %dma_start3A] : memref<16x1024xf32, #tpu.memory_space<hbm>> -> memref<1x1024xf32, #tpu.memory_space<hbm>>
      %dma_start3A_33 = tpu.memref_squeeze %dma_start3A_32 : memref<1x1024xf32, #tpu.memory_space<hbm>> -> memref<1024xf32, #tpu.memory_space<hbm>>
      %dma_start3A_34 = arith.constant 0 : i32
      %dma_start3A_35 = tpu.memref_slice %arg2[%select_n3A, %dma_start3A_34] : memref<16x1024xf32, #tpu.memory_space<hbm>> -> memref<1x1024xf32, #tpu.memory_space<hbm>>
      %dma_start3A_36 = tpu.memref_squeeze %dma_start3A_35 : memref<1x1024xf32, #tpu.memory_space<hbm>> -> memref<1024xf32, #tpu.memory_space<hbm>>
      tpu.enqueue_dma source(%dma_start3A_36 : memref<1024xf32, #tpu.memory_space<hbm>>) target(%arg6 : memref<1024xf32, #tpu.memory_space<vmem>>) target_semaphore(%run_scoped3A : memref<!tpu.dma_semaphore, #tpu.memory_space<semaphore_mem>>)
      %dma_wait3A = arith.constant 0 : i32
      %dma_wait3A_37 = tpu.memref_slice %arg2[%select_n3A, %dma_wait3A] : memref<16x1024xf32, #tpu.memory_space<hbm>> -> memref<1x1024xf32, #tpu.memory_space<hbm>>
      %dma_wait3A_38 = tpu.memref_squeeze %dma_wait3A_37 : memref<1x1024xf32, #tpu.memory_space<hbm>> -> memref<1024xf32, #tpu.memory_space<hbm>>
      %dma_wait3A_39 = arith.constant 0 : i32
      %dma_wait3A_40 = tpu.memref_slice %arg2[%select_n3A, %dma_wait3A_39] : memref<16x1024xf32, #tpu.memory_space<hbm>> -> memref<1x1024xf32, #tpu.memory_space<hbm>>
      %dma_wait3A_41 = tpu.memref_squeeze %dma_wait3A_40 : memref<1x1024xf32, #tpu.memory_space<hbm>> -> memref<1024xf32, #tpu.memory_space<hbm>>
      tpu.wait_dma2 semaphore(%run_scoped3A : memref<!tpu.dma_semaphore, #tpu.memory_space<semaphore_mem>>) src(%dma_wait3A_41 : memref<1024xf32, #tpu.memory_space<hbm>>) dst(%arg6 : memref<1024xf32, #tpu.memory_space<vmem>>)
      tpu.yield
    }) : () -> ()
    "tpu.region"() ({
      %run_scoped3A = tpu.sem_alloc : memref<!tpu.dma_semaphore, #tpu.memory_space<semaphore_mem>>
      %dma_start3A = arith.constant 0 : i32
      %dma_start3A_32 = tpu.memref_slice %arg3[%select_n3A, %dma_start3A] : memref<16x1024xf32, #tpu.memory_space<hbm>> -> memref<1x1024xf32, #tpu.memory_space<hbm>>
      %dma_start3A_33 = tpu.memref_squeeze %dma_start3A_32 : memref<1x1024xf32, #tpu.memory_space<hbm>> -> memref<1024xf32, #tpu.memory_space<hbm>>
      %dma_start3A_34 = arith.constant 0 : i32
      %dma_start3A_35 = tpu.memref_slice %arg3[%select_n3A, %dma_start3A_34] : memref<16x1024xf32, #tpu.memory_space<hbm>> -> memref<1x1024xf32, #tpu.memory_space<hbm>>
      %dma_start3A_36 = tpu.memref_squeeze %dma_start3A_35 : memref<1x1024xf32, #tpu.memory_space<hbm>> -> memref<1024xf32, #tpu.memory_space<hbm>>
      tpu.enqueue_dma source(%dma_start3A_36 : memref<1024xf32, #tpu.memory_space<hbm>>) target(%arg7 : memref<1024xf32, #tpu.memory_space<vmem>>) target_semaphore(%run_scoped3A : memref<!tpu.dma_semaphore, #tpu.memory_space<semaphore_mem>>)
      %dma_wait3A = arith.constant 0 : i32
      %dma_wait3A_37 = tpu.memref_slice %arg3[%select_n3A, %dma_wait3A] : memref<16x1024xf32, #tpu.memory_space<hbm>> -> memref<1x1024xf32, #tpu.memory_space<hbm>>
      %dma_wait3A_38 = tpu.memref_squeeze %dma_wait3A_37 : memref<1x1024xf32, #tpu.memory_space<hbm>> -> memref<1024xf32, #tpu.memory_space<hbm>>
      %dma_wait3A_39 = arith.constant 0 : i32
      %dma_wait3A_40 = tpu.memref_slice %arg3[%select_n3A, %dma_wait3A_39] : memref<16x1024xf32, #tpu.memory_space<hbm>> -> memref<1x1024xf32, #tpu.memory_space<hbm>>
      %dma_wait3A_41 = tpu.memref_squeeze %dma_wait3A_40 : memref<1x1024xf32, #tpu.memory_space<hbm>> -> memref<1024xf32, #tpu.memory_space<hbm>>
      tpu.wait_dma2 semaphore(%run_scoped3A : memref<!tpu.dma_semaphore, #tpu.memory_space<semaphore_mem>>) src(%dma_wait3A_41 : memref<1024xf32, #tpu.memory_space<hbm>>) dst(%arg7 : memref<1024xf32, #tpu.memory_space<vmem>>)
      tpu.yield
    }) : () -> ()
    %scan3A = arith.constant 0 : i32
    %scan3A_22 = arith.constant 0 : i32
    %scan3A_23 = arith.constant 500 : i32
    %scan3A_24 = arith.addi %scan3A_22, %scan3A_23 : i32
    %scan3A_25 = arith.constant 1 : i32
    %scan3A_26 = scf.for %scan3A_32 = %scan3A_22 to %scan3A_24 step %scan3A_25 iter_args(%scan3A_33 = %scan3A) -> (i32)  : i32 {
      %add3A_34 = arith.addi %sub3A_21, %scan3A_32 : i32
      %get3A = arith.index_cast %add3A_34 : i32 to index
      %get3A_35 = tpu.vector_load %arg6[%get3A] {strides = array<i32>} : memref<1024xf32, #tpu.memory_space<vmem>>, vector<16xf32>,
      %slice3A = vector.extract_strided_slice %get3A_35 {offsets = [0], sizes = [1], strides = [1]} : vector<16xf32> to vector<1xf32>
      %squeeze3A = vector.extract %slice3A[0] : f32 from vector<1xf32>
      %get3A_36 = arith.index_cast %add3A_34 : i32 to index
      %get3A_37 = tpu.vector_load %arg7[%get3A_36] {strides = array<i32>} : memref<1024xf32, #tpu.memory_space<vmem>>, vector<16xf32>,
      %slice3A_38 = vector.extract_strided_slice %get3A_37 {offsets = [0], sizes = [1], strides = [1]} : vector<16xf32> to vector<1xf32>
      %squeeze3A_39 = vector.extract %slice3A_38[0] : f32 from vector<1xf32>
      %broadcast_in_dim3A = arith.constant 1.000000e+30 : f32
      %broadcast_in_dim3A_40 = vector.broadcast %broadcast_in_dim3A : f32 to vector<16xf32>
      %broadcast_in_dim3A_41 = arith.constant 0 : i32
      %broadcast_in_dim3A_42 = vector.broadcast %broadcast_in_dim3A_41 : i32 to vector<16xi32>
      %scan3A_43 = arith.constant 1.000000e+30 : f32
      %scan3A_44 = arith.constant 0 : i32
      %scan3A_45 = arith.constant 0 : i32
      %scan3A_46 = arith.constant 64 : i32
      %scan3A_47 = arith.addi %scan3A_45, %scan3A_46 : i32
      %scan3A_48 = arith.constant 1 : i32
      %scan3A_49:6 = scf.for %scan3A_118 = %scan3A_45 to %scan3A_47 step %scan3A_48 iter_args(%scan3A_119 = %broadcast_in_dim3A_40, %scan3A_120 = %broadcast_in_dim3A_42, %scan3A_121 = %broadcast_in_dim3A_40, %scan3A_122 = %broadcast_in_dim3A_42, %scan3A_123 = %scan3A_43, %scan3A_124 = %scan3A_44) -> (vector<16xf32>, vector<16xi32>, vector<16xf32>, vector<16xi32>, f32, i32)  : i32 {
        %mul3A_125 = arith.constant 16 : i32
        %mul3A_126 = arith.muli %scan3A_118, %mul3A_125 : i32
        %get3A_127 = arith.index_cast %mul3A_126 : i32 to index
        %get3A_128 = tpu.vector_load %arg6[%get3A_127] {strides = array<i32>} : memref<1024xf32, #tpu.memory_space<vmem>>, vector<16xf32>,
        %mul3A_129 = arith.constant 16 : i32
        %mul3A_130 = arith.muli %scan3A_118, %mul3A_129 : i32
        %get3A_131 = arith.index_cast %mul3A_130 : i32 to index
        %get3A_132 = tpu.vector_load %arg7[%get3A_131] {strides = array<i32>} : memref<1024xf32, #tpu.memory_space<vmem>>, vector<16xf32>,
        %sub3A_133 = vector.broadcast %squeeze3A : f32 to vector<16xf32>
        %sub3A_134 = arith.subf %get3A_128, %sub3A_133 : vector<16xf32>
        %sub3A_135 = vector.broadcast %squeeze3A_39 : f32 to vector<16xf32>
        %sub3A_136 = arith.subf %get3A_132, %sub3A_135 : vector<16xf32>
        %mul3A_137 = arith.mulf %sub3A_134, %sub3A_134 : vector<16xf32>
        %mul3A_138 = arith.mulf %sub3A_136, %sub3A_136 : vector<16xf32>
        %add3A_139 = arith.addf %mul3A_137, %mul3A_138 : vector<16xf32>
        %mul3A_140 = arith.constant 16 : i32
        %mul3A_141 = arith.muli %scan3A_118, %mul3A_140 : i32
        %iota3A = tpu.iota {dimensions = array<i32: 0>} : vector<16xi32>
        %add3A_142 = vector.broadcast %mul3A_141 : i32 to vector<16xi32>
        %add3A_143 = arith.addi %add3A_142, %iota3A : vector<16xi32>
        %eq3A = vector.broadcast %add3A_34 : i32 to vector<16xi32>
        %eq3A_144 = arith.cmpi eq, %add3A_143, %eq3A : vector<16xi32>
        %ge3A = arith.constant 1000 : i32
        %ge3A_145 = vector.broadcast %ge3A : i32 to vector<16xi32>
        %ge3A_146 = arith.cmpi sge, %add3A_143, %ge3A_145 : vector<16xi32>
        %or3A = arith.ori %eq3A_144, %ge3A_146 : vector<16xi1>
        %jit3A_147 = arith.constant 1.000000e+30 : f32
        %broadcast_in_dim3A_148 = vector.broadcast %jit3A_147 : f32 to vector<16xf32>
        %select_n3A_149 = arith.select %or3A, %broadcast_in_dim3A_148, %add3A_139 : vector<16xi1>, vector<16xf32>
        %lt3A = vector.broadcast %scan3A_123 : f32 to vector<16xf32>
        %lt3A_150 = arith.cmpf olt, %select_n3A_149, %lt3A : vector<16xf32>
        %convert_element_type3A = arith.extui %lt3A_150 : vector<16xi1> to vector<16xi32>
        %broadcast_in_dim3A_151 = arith.constant true
        %broadcast_in_dim3A_152 = vector.broadcast %broadcast_in_dim3A_151 : i1 to vector<16xi1>
        %masked_cumsum3A = tpu.scan <sum>, %convert_element_type3A masked %broadcast_in_dim3A_152 : vector<16xi32>, vector<16xi1> -> vector<16xi32>
        %add3A_153 = vector.broadcast %scan3A_124 : i32 to vector<16xi32>
        %add3A_154 = arith.addi %add3A_153, %masked_cumsum3A : vector<16xi32>
        %sub3A_155 = arith.subi %add3A_154, %convert_element_type3A : vector<16xi32>
        tpu.vector_store_idx %arg8[%sub3A_155], %select_n3A_149 masked %lt3A_150 : memref<192xf32, #tpu.memory_space<vmem>>[vector<16xi32>], vector<16xf32>, vector<16xi1>
        tpu.vector_store_idx %arg9[%sub3A_155], %add3A_143 masked %lt3A_150 : memref<192xi32, #tpu.memory_space<vmem>>[vector<16xi32>], vector<16xi32>, vector<16xi1>
        %reduce_max3A_156 = arith.constant true
        %reduce_max3A_157 = vector.broadcast %reduce_max3A_156 : i1 to vector<16xi1>
        %reduce_max3A_158 = arith.constant -2147483648 : i32
        %reduce_max3A_159 = vector.broadcast %reduce_max3A_158 : i32 to vector<16xi32>
        %reduce_max3A_160 = arith.xori %masked_cumsum3A, %reduce_max3A_159 : vector<16xi32>
        %reduce_max3A_161 = tpu.scan <max>, %reduce_max3A_160 masked %reduce_max3A_157 : vector<16xi32>, vector<16xi1> -> vector<16xi32>
        %reduce_max3A_162 = arith.xori %reduce_max3A_161, %reduce_max3A_159 : vector<16xi32>
        %reduce_max3A_163 = vector.extract %reduce_max3A_162[15] : i32 from vector<16xi32>
        %add3A_164 = arith.addi %scan3A_124, %reduce_max3A_163 : i32
        %ge3A_165 = arith.constant 160 : i32
        %ge3A_166 = arith.cmpi sge, %add3A_164, %ge3A_165 : i32
        %convert_element_type3A_167 = arith.extui %ge3A_166 : i1 to i32
        %cond3A = arith.constant 0 : i32
        %cond3A_168 = arith.cmpi ne, %convert_element_type3A_167, %cond3A : i32
        %cond3A_169:6 = scf.if %cond3A_168 -> (vector<16xf32>, vector<16xi32>, vector<16xf32>, vector<16xi32>, f32, i32) {
          %add3A_170 = arith.constant 15 : i32
          %add3A_171 = arith.addi %add3A_164, %add3A_170 : i32
          %jit3A_172 = arith.constant 16 : i32
          %div3A_173 = arith.divsi %add3A_171, %jit3A_172 : i32
          %sign3A_174 = arith.constant 0 : i32
          %sign3A_175 = arith.cmpi sgt, %add3A_171, %sign3A_174 : i32
          %sign3A_176 = arith.extui %sign3A_175 : i1 to i32
          %sign3A_177 = arith.constant 0 : i32
          %sign3A_178 = arith.cmpi slt, %add3A_171, %sign3A_177 : i32
          %sign3A_179 = arith.extui %sign3A_178 : i1 to i32
          %sign3A_180 = arith.subi %sign3A_176, %sign3A_179 : i32
          %sign3A_181 = arith.constant 0 : i32
          %sign3A_182 = arith.cmpi sgt, %jit3A_172, %sign3A_181 : i32
          %sign3A_183 = arith.extui %sign3A_182 : i1 to i32
          %sign3A_184 = arith.constant 0 : i32
          %sign3A_185 = arith.cmpi slt, %jit3A_172, %sign3A_184 : i32
          %sign3A_186 = arith.extui %sign3A_185 : i1 to i32
          %sign3A_187 = arith.subi %sign3A_183, %sign3A_186 : i32
          %ne3A_188 = arith.cmpi ne, %sign3A_180, %sign3A_187 : i32
          %rem3A_189 = arith.remsi %add3A_171, %jit3A_172 : i32
          %ne3A_190 = arith.constant 0 : i32
          %ne3A_191 = arith.cmpi ne, %rem3A_189, %ne3A_190 : i32
          %and3A_192 = arith.andi %ne3A_188, %ne3A_191 : i1
          %sub3A_193 = arith.constant 1 : i32
          %sub3A_194 = arith.subi %div3A_173, %sub3A_193 : i32
          %select_n3A_195 = arith.select %and3A_192, %sub3A_194, %div3A_173 : i32
          %while3A_196 = arith.constant 0 : i32
          %while3A_197 = arith.subi %select_n3A_195, %while3A_196 : i32
          %while3A_198 = arith.addi %while3A_196, %while3A_197 : i32
          %while3A_199 = arith.constant 1 : i32
          %while3A_200 = arith.divsi %while3A_197, %while3A_199 : i32
          %while3A_201 = arith.muli %while3A_200, %while3A_199 : i32
          %while3A_202 = arith.addi %while3A_196, %while3A_201 : i32
          %while3A_203 = arith.constant 1 : i32
          %while3A_204:4 = scf.for %while3A_212 = %while3A_196 to %while3A_202 step %while3A_203 iter_args(%while3A_213 = %scan3A_119, %while3A_214 = %scan3A_120, %while3A_215 = %scan3A_121, %while3A_216 = %scan3A_122) -> (vector<16xf32>, vector<16xi32>, vector<16xf32>, vector<16xi32>)  : i32 {
            %mul3A_217 = arith.constant 16 : i32
            %mul3A_218 = arith.muli %while3A_212, %mul3A_217 : i32
            %get3A_219 = arith.index_cast %mul3A_218 : i32 to index
            %get3A_220 = tpu.vector_load %arg8[%get3A_219] {strides = array<i32>} : memref<192xf32, #tpu.memory_space<vmem>>, vector<16xf32>,
            %mul3A_221 = arith.constant 16 : i32
            %mul3A_222 = arith.muli %while3A_212, %mul3A_221 : i32
            %get3A_223 = arith.index_cast %mul3A_222 : i32 to index
            %get3A_224 = tpu.vector_load %arg9[%get3A_223] {strides = array<i32>} : memref<192xi32, #tpu.memory_space<vmem>>, vector<16xi32>,
            %mul3A_225 = arith.constant 16 : i32
            %mul3A_226 = arith.muli %while3A_212, %mul3A_225 : i32
            %iota3A_227 = tpu.iota {dimensions = array<i32: 0>} : vector<16xi32>
            %add3A_228 = vector.broadcast %mul3A_226 : i32 to vector<16xi32>
            %add3A_229 = arith.addi %add3A_228, %iota3A_227 : vector<16xi32>
            %lt3A_230 = vector.broadcast %add3A_164 : i32 to vector<16xi32>
            %lt3A_231 = arith.cmpi slt, %add3A_229, %lt3A_230 : vector<16xi32>
            %jit3A_232 = arith.constant 1.000000e+30 : f32
            %broadcast_in_dim3A_233 = vector.broadcast %jit3A_232 : f32 to vector<16xf32>
            %select_n3A_234 = arith.select %lt3A_231, %get3A_220, %broadcast_in_dim3A_233 : vector<16xi1>, vector<16xf32>
            %masked_sort3A = arith.constant dense<true> : vector<16xi1>
            %masked_sort3A_235, %masked_sort3A_236, %masked_sort3A_237 = tpu.sort %select_n3A_234, %get3A_224 masked %masked_sort3A : (vector<16xf32>, vector<16xi32>, vector<16xi1>) -> (vector<16xi1>, vector<16xf32>, vector<16xi32>)
            %rev3A = arith.constant 15 : i32
            %rev3A_238 = vector.broadcast %rev3A : i32 to vector<16xi32>
            %rev3A_239 = tpu.iota {dimensions = array<i32: 0>} : vector<16xi32>
            %rev3A_240 = arith.subi %rev3A_238, %rev3A_239 : vector<16xi32>
            %rev3A_241 = tpu.dynamic_gather %masked_sort3A_236[%rev3A_240] in [0] : vector<16xf32>, vector<16xi32> -> vector<16xf32>
            %rev3A_242 = arith.constant 15 : i32
            %rev3A_243 = vector.broadcast %rev3A_242 : i32 to vector<16xi32>
            %rev3A_244 = tpu.iota {dimensions = array<i32: 0>} : vector<16xi32>
            %rev3A_245 = arith.subi %rev3A_243, %rev3A_244 : vector<16xi32>
            %rev3A_246 = tpu.dynamic_gather %masked_sort3A_237[%rev3A_245] in [0] : vector<16xi32>, vector<16xi32> -> vector<16xi32>
            %le3A = arith.cmpf ole, %while3A_215, %rev3A_241 : vector<16xf32>
            %select_n3A_247 = arith.select %le3A, %while3A_215, %rev3A_241 : vector<16xi1>, vector<16xf32>
            %select_n3A_248 = arith.select %le3A, %while3A_216, %rev3A_246 : vector<16xi1>, vector<16xi32>
            %masked_sort3A_249 = arith.constant dense<true> : vector<16xi1>
            %masked_sort3A_250, %masked_sort3A_251, %masked_sort3A_252 = tpu.sort %select_n3A_247, %select_n3A_248 masked %masked_sort3A_249 : (vector<16xf32>, vector<16xi32>, vector<16xi1>) -> (vector<16xi1>, vector<16xf32>, vector<16xi32>)
            %rev3A_253 = arith.constant 15 : i32
            %rev3A_254 = vector.broadcast %rev3A_253 : i32 to vector<16xi32>
            %rev3A_255 = tpu.iota {dimensions = array<i32: 0>} : vector<16xi32>
            %rev3A_256 = arith.subi %rev3A_254, %rev3A_255 : vector<16xi32>
            %rev3A_257 = tpu.dynamic_gather %masked_sort3A_251[%rev3A_256] in [0] : vector<16xf32>, vector<16xi32> -> vector<16xf32>
            %rev3A_258 = arith.constant 15 : i32
            %rev3A_259 = vector.broadcast %rev3A_258 : i32 to vector<16xi32>
            %rev3A_260 = tpu.iota {dimensions = array<i32: 0>} : vector<16xi32>
            %rev3A_261 = arith.subi %rev3A_259, %rev3A_260 : vector<16xi32>
            %rev3A_262 = tpu.dynamic_gather %masked_sort3A_252[%rev3A_261] in [0] : vector<16xi32>, vector<16xi32> -> vector<16xi32>
            %le3A_263 = arith.cmpf ole, %while3A_213, %rev3A_257 : vector<16xf32>
            %select_n3A_264 = arith.select %le3A_263, %while3A_213, %rev3A_257 : vector<16xi1>, vector<16xf32>
            %select_n3A_265 = arith.select %le3A_263, %while3A_214, %rev3A_262 : vector<16xi1>, vector<16xi32>
            %select_n3A_266 = arith.select %le3A_263, %rev3A_257, %while3A_213 : vector<16xi1>, vector<16xf32>
            %select_n3A_267 = arith.select %le3A_263, %rev3A_262, %while3A_214 : vector<16xi1>, vector<16xi32>
            %masked_sort3A_268 = arith.constant dense<true> : vector<16xi1>
            %masked_sort3A_269, %masked_sort3A_270, %masked_sort3A_271 = tpu.sort %select_n3A_264, %select_n3A_265 masked %masked_sort3A_268 : (vector<16xf32>, vector<16xi32>, vector<16xi1>) -> (vector<16xi1>, vector<16xf32>, vector<16xi32>)
            %masked_sort3A_272 = arith.constant dense<true> : vector<16xi1>
            %masked_sort3A_273, %masked_sort3A_274, %masked_sort3A_275 = tpu.sort %select_n3A_266, %select_n3A_267 masked %masked_sort3A_272 : (vector<16xf32>, vector<16xi32>, vector<16xi1>) -> (vector<16xi1>, vector<16xf32>, vector<16xi32>)
            scf.yield %masked_sort3A_270, %masked_sort3A_271, %masked_sort3A_274, %masked_sort3A_275 : vector<16xf32>, vector<16xi32>, vector<16xf32>, vector<16xi32>
          }
          %while3A_205 = arith.constant 1 : i32
          %while3A_206:4 = scf.for %while3A_212 = %while3A_202 to %while3A_198 step %while3A_205 iter_args(%while3A_213 = %while3A_204#0, %while3A_214 = %while3A_204#1, %while3A_215 = %while3A_204#2, %while3A_216 = %while3A_204#3) -> (vector<16xf32>, vector<16xi32>, vector<16xf32>, vector<16xi32>)  : i32 {
            %mul3A_217 = arith.constant 16 : i32
            %mul3A_218 = arith.muli %while3A_212, %mul3A_217 : i32
            %get3A_219 = arith.index_cast %mul3A_218 : i32 to index
            %get3A_220 = tpu.vector_load %arg8[%get3A_219] {strides = array<i32>} : memref<192xf32, #tpu.memory_space<vmem>>, vector<16xf32>,
            %mul3A_221 = arith.constant 16 : i32
            %mul3A_222 = arith.muli %while3A_212, %mul3A_221 : i32
            %get3A_223 = arith.index_cast %mul3A_222 : i32 to index
            %get3A_224 = tpu.vector_load %arg9[%get3A_223] {strides = array<i32>} : memref<192xi32, #tpu.memory_space<vmem>>, vector<16xi32>,
            %mul3A_225 = arith.constant 16 : i32
            %mul3A_226 = arith.muli %while3A_212, %mul3A_225 : i32
            %iota3A_227 = tpu.iota {dimensions = array<i32: 0>} : vector<16xi32>
            %add3A_228 = vector.broadcast %mul3A_226 : i32 to vector<16xi32>
            %add3A_229 = arith.addi %add3A_228, %iota3A_227 : vector<16xi32>
            %lt3A_230 = vector.broadcast %add3A_164 : i32 to vector<16xi32>
            %lt3A_231 = arith.cmpi slt, %add3A_229, %lt3A_230 : vector<16xi32>
            %jit3A_232 = arith.constant 1.000000e+30 : f32
            %broadcast_in_dim3A_233 = vector.broadcast %jit3A_232 : f32 to vector<16xf32>
            %select_n3A_234 = arith.select %lt3A_231, %get3A_220, %broadcast_in_dim3A_233 : vector<16xi1>, vector<16xf32>
            %masked_sort3A = arith.constant dense<true> : vector<16xi1>
            %masked_sort3A_235, %masked_sort3A_236, %masked_sort3A_237 = tpu.sort %select_n3A_234, %get3A_224 masked %masked_sort3A : (vector<16xf32>, vector<16xi32>, vector<16xi1>) -> (vector<16xi1>, vector<16xf32>, vector<16xi32>)
            %rev3A = arith.constant 15 : i32
            %rev3A_238 = vector.broadcast %rev3A : i32 to vector<16xi32>
            %rev3A_239 = tpu.iota {dimensions = array<i32: 0>} : vector<16xi32>
            %rev3A_240 = arith.subi %rev3A_238, %rev3A_239 : vector<16xi32>
            %rev3A_241 = tpu.dynamic_gather %masked_sort3A_236[%rev3A_240] in [0] : vector<16xf32>, vector<16xi32> -> vector<16xf32>
            %rev3A_242 = arith.constant 15 : i32
            %rev3A_243 = vector.broadcast %rev3A_242 : i32 to vector<16xi32>
            %rev3A_244 = tpu.iota {dimensions = array<i32: 0>} : vector<16xi32>
            %rev3A_245 = arith.subi %rev3A_243, %rev3A_244 : vector<16xi32>
            %rev3A_246 = tpu.dynamic_gather %masked_sort3A_237[%rev3A_245] in [0] : vector<16xi32>, vector<16xi32> -> vector<16xi32>
            %le3A = arith.cmpf ole, %while3A_215, %rev3A_241 : vector<16xf32>
            %select_n3A_247 = arith.select %le3A, %while3A_215, %rev3A_241 : vector<16xi1>, vector<16xf32>
            %select_n3A_248 = arith.select %le3A, %while3A_216, %rev3A_246 : vector<16xi1>, vector<16xi32>
            %masked_sort3A_249 = arith.constant dense<true> : vector<16xi1>
            %masked_sort3A_250, %masked_sort3A_251, %masked_sort3A_252 = tpu.sort %select_n3A_247, %select_n3A_248 masked %masked_sort3A_249 : (vector<16xf32>, vector<16xi32>, vector<16xi1>) -> (vector<16xi1>, vector<16xf32>, vector<16xi32>)
            %rev3A_253 = arith.constant 15 : i32
            %rev3A_254 = vector.broadcast %rev3A_253 : i32 to vector<16xi32>
            %rev3A_255 = tpu.iota {dimensions = array<i32: 0>} : vector<16xi32>
            %rev3A_256 = arith.subi %rev3A_254, %rev3A_255 : vector<16xi32>
            %rev3A_257 = tpu.dynamic_gather %masked_sort3A_251[%rev3A_256] in [0] : vector<16xf32>, vector<16xi32> -> vector<16xf32>
            %rev3A_258 = arith.constant 15 : i32
            %rev3A_259 = vector.broadcast %rev3A_258 : i32 to vector<16xi32>
            %rev3A_260 = tpu.iota {dimensions = array<i32: 0>} : vector<16xi32>
            %rev3A_261 = arith.subi %rev3A_259, %rev3A_260 : vector<16xi32>
            %rev3A_262 = tpu.dynamic_gather %masked_sort3A_252[%rev3A_261] in [0] : vector<16xi32>, vector<16xi32> -> vector<16xi32>
            %le3A_263 = arith.cmpf ole, %while3A_213, %rev3A_257 : vector<16xf32>
            %select_n3A_264 = arith.select %le3A_263, %while3A_213, %rev3A_257 : vector<16xi1>, vector<16xf32>
            %select_n3A_265 = arith.select %le3A_263, %while3A_214, %rev3A_262 : vector<16xi1>, vector<16xi32>
            %select_n3A_266 = arith.select %le3A_263, %rev3A_257, %while3A_213 : vector<16xi1>, vector<16xf32>
            %select_n3A_267 = arith.select %le3A_263, %rev3A_262, %while3A_214 : vector<16xi1>, vector<16xi32>
            %masked_sort3A_268 = arith.constant dense<true> : vector<16xi1>
            %masked_sort3A_269, %masked_sort3A_270, %masked_sort3A_271 = tpu.sort %select_n3A_264, %select_n3A_265 masked %masked_sort3A_268 : (vector<16xf32>, vector<16xi32>, vector<16xi1>) -> (vector<16xi1>, vector<16xf32>, vector<16xi32>)
            %masked_sort3A_272 = arith.constant dense<true> : vector<16xi1>
            %masked_sort3A_273, %masked_sort3A_274, %masked_sort3A_275 = tpu.sort %select_n3A_266, %select_n3A_267 masked %masked_sort3A_272 : (vector<16xf32>, vector<16xi32>, vector<16xi1>) -> (vector<16xi1>, vector<16xf32>, vector<16xi32>)
            scf.yield %masked_sort3A_270, %masked_sort3A_271, %masked_sort3A_274, %masked_sort3A_275 : vector<16xf32>, vector<16xi32>, vector<16xf32>, vector<16xi32>
          }
          %reduce_max3A_207 = arith.constant true
          %reduce_max3A_208 = vector.broadcast %reduce_max3A_207 : i1 to vector<16xi1>
          %reduce_max3A_209 = tpu.scan <max>, %while3A_206#2 masked %reduce_max3A_208 : vector<16xf32>, vector<16xi1> -> vector<16xf32>
          %reduce_max3A_210 = vector.extract %reduce_max3A_209[15] : f32 from vector<16xf32>
          %cond3A_211 = arith.constant 0 : i32
          scf.yield %while3A_206#0, %while3A_206#1, %while3A_206#2, %while3A_206#3, %reduce_max3A_210, %cond3A_211 : vector<16xf32>, vector<16xi32>, vector<16xf32>, vector<16xi32>, f32, i32
        } else {
          scf.yield %scan3A_119, %scan3A_120, %scan3A_121, %scan3A_122, %scan3A_123, %add3A_164 : vector<16xf32>, vector<16xi32>, vector<16xf32>, vector<16xi32>, f32, i32
        }
        scf.yield %cond3A_169#0, %cond3A_169#1, %cond3A_169#2, %cond3A_169#3, %cond3A_169#4, %cond3A_169#5 : vector<16xf32>, vector<16xi32>, vector<16xf32>, vector<16xi32>, f32, i32
      }
      %scan3A_50 = arith.constant 64 : i32
      %add3A_51 = arith.constant 15 : i32
      %add3A_52 = arith.addi %scan3A_49#5, %add3A_51 : i32
      %jit3A_53 = arith.constant 16 : i32
      %div3A_54 = arith.divsi %add3A_52, %jit3A_53 : i32
      %sign3A_55 = arith.constant 0 : i32
      %sign3A_56 = arith.cmpi sgt, %add3A_52, %sign3A_55 : i32
      %sign3A_57 = arith.extui %sign3A_56 : i1 to i32
      %sign3A_58 = arith.constant 0 : i32
      %sign3A_59 = arith.cmpi slt, %add3A_52, %sign3A_58 : i32
      %sign3A_60 = arith.extui %sign3A_59 : i1 to i32
      %sign3A_61 = arith.subi %sign3A_57, %sign3A_60 : i32
      %sign3A_62 = arith.constant 0 : i32
      %sign3A_63 = arith.cmpi sgt, %jit3A_53, %sign3A_62 : i32
      %sign3A_64 = arith.extui %sign3A_63 : i1 to i32
      %sign3A_65 = arith.constant 0 : i32
      %sign3A_66 = arith.cmpi slt, %jit3A_53, %sign3A_65 : i32
      %sign3A_67 = arith.extui %sign3A_66 : i1 to i32
      %sign3A_68 = arith.subi %sign3A_64, %sign3A_67 : i32
      %ne3A_69 = arith.cmpi ne, %sign3A_61, %sign3A_68 : i32
      %rem3A_70 = arith.remsi %add3A_52, %jit3A_53 : i32
      %ne3A_71 = arith.constant 0 : i32
      %ne3A_72 = arith.cmpi ne, %rem3A_70, %ne3A_71 : i32
      %and3A_73 = arith.andi %ne3A_69, %ne3A_72 : i1
      %sub3A_74 = arith.constant 1 : i32
      %sub3A_75 = arith.subi %div3A_54, %sub3A_74 : i32
      %select_n3A_76 = arith.select %and3A_73, %sub3A_75, %div3A_54 : i32
      %while3A = arith.constant 0 : i32
      %while3A_77 = arith.subi %select_n3A_76, %while3A : i32
      %while3A_78 = arith.addi %while3A, %while3A_77 : i32
      %while3A_79 = arith.constant 1 : i32
      %while3A_80 = arith.divsi %while3A_77, %while3A_79 : i32
      %while3A_81 = arith.muli %while3A_80, %while3A_79 : i32
      %while3A_82 = arith.addi %while3A, %while3A_81 : i32
      %while3A_83 = arith.constant 1 : i32
      %while3A_84:4 = scf.for %while3A_118 = %while3A to %while3A_82 step %while3A_83 iter_args(%while3A_119 = %scan3A_49#0, %while3A_120 = %scan3A_49#1, %while3A_121 = %scan3A_49#2, %while3A_122 = %scan3A_49#3) -> (vector<16xf32>, vector<16xi32>, vector<16xf32>, vector<16xi32>)  : i32 {
        %mul3A_123 = arith.constant 16 : i32
        %mul3A_124 = arith.muli %while3A_118, %mul3A_123 : i32
        %get3A_125 = arith.index_cast %mul3A_124 : i32 to index
        %get3A_126 = tpu.vector_load %arg8[%get3A_125] {strides = array<i32>} : memref<192xf32, #tpu.memory_space<vmem>>, vector<16xf32>,
        %mul3A_127 = arith.constant 16 : i32
        %mul3A_128 = arith.muli %while3A_118, %mul3A_127 : i32
        %get3A_129 = arith.index_cast %mul3A_128 : i32 to index
        %get3A_130 = tpu.vector_load %arg9[%get3A_129] {strides = array<i32>} : memref<192xi32, #tpu.memory_space<vmem>>, vector<16xi32>,
        %mul3A_131 = arith.constant 16 : i32
        %mul3A_132 = arith.muli %while3A_118, %mul3A_131 : i32
        %iota3A = tpu.iota {dimensions = array<i32: 0>} : vector<16xi32>
        %add3A_133 = vector.broadcast %mul3A_132 : i32 to vector<16xi32>
        %add3A_134 = arith.addi %add3A_133, %iota3A : vector<16xi32>
        %lt3A = vector.broadcast %scan3A_49#5 : i32 to vector<16xi32>
        %lt3A_135 = arith.cmpi slt, %add3A_134, %lt3A : vector<16xi32>
        %jit3A_136 = arith.constant 1.000000e+30 : f32
        %broadcast_in_dim3A_137 = vector.broadcast %jit3A_136 : f32 to vector<16xf32>
        %select_n3A_138 = arith.select %lt3A_135, %get3A_126, %broadcast_in_dim3A_137 : vector<16xi1>, vector<16xf32>
        %masked_sort3A = arith.constant dense<true> : vector<16xi1>
        %masked_sort3A_139, %masked_sort3A_140, %masked_sort3A_141 = tpu.sort %select_n3A_138, %get3A_130 masked %masked_sort3A : (vector<16xf32>, vector<16xi32>, vector<16xi1>) -> (vector<16xi1>, vector<16xf32>, vector<16xi32>)
        %rev3A = arith.constant 15 : i32
        %rev3A_142 = vector.broadcast %rev3A : i32 to vector<16xi32>
        %rev3A_143 = tpu.iota {dimensions = array<i32: 0>} : vector<16xi32>
        %rev3A_144 = arith.subi %rev3A_142, %rev3A_143 : vector<16xi32>
        %rev3A_145 = tpu.dynamic_gather %masked_sort3A_140[%rev3A_144] in [0] : vector<16xf32>, vector<16xi32> -> vector<16xf32>
        %rev3A_146 = arith.constant 15 : i32
        %rev3A_147 = vector.broadcast %rev3A_146 : i32 to vector<16xi32>
        %rev3A_148 = tpu.iota {dimensions = array<i32: 0>} : vector<16xi32>
        %rev3A_149 = arith.subi %rev3A_147, %rev3A_148 : vector<16xi32>
        %rev3A_150 = tpu.dynamic_gather %masked_sort3A_141[%rev3A_149] in [0] : vector<16xi32>, vector<16xi32> -> vector<16xi32>
        %le3A = arith.cmpf ole, %while3A_121, %rev3A_145 : vector<16xf32>
        %select_n3A_151 = arith.select %le3A, %while3A_121, %rev3A_145 : vector<16xi1>, vector<16xf32>
        %select_n3A_152 = arith.select %le3A, %while3A_122, %rev3A_150 : vector<16xi1>, vector<16xi32>
        %masked_sort3A_153 = arith.constant dense<true> : vector<16xi1>
        %masked_sort3A_154, %masked_sort3A_155, %masked_sort3A_156 = tpu.sort %select_n3A_151, %select_n3A_152 masked %masked_sort3A_153 : (vector<16xf32>, vector<16xi32>, vector<16xi1>) -> (vector<16xi1>, vector<16xf32>, vector<16xi32>)
        %rev3A_157 = arith.constant 15 : i32
        %rev3A_158 = vector.broadcast %rev3A_157 : i32 to vector<16xi32>
        %rev3A_159 = tpu.iota {dimensions = array<i32: 0>} : vector<16xi32>
        %rev3A_160 = arith.subi %rev3A_158, %rev3A_159 : vector<16xi32>
        %rev3A_161 = tpu.dynamic_gather %masked_sort3A_155[%rev3A_160] in [0] : vector<16xf32>, vector<16xi32> -> vector<16xf32>
        %rev3A_162 = arith.constant 15 : i32
        %rev3A_163 = vector.broadcast %rev3A_162 : i32 to vector<16xi32>
        %rev3A_164 = tpu.iota {dimensions = array<i32: 0>} : vector<16xi32>
        %rev3A_165 = arith.subi %rev3A_163, %rev3A_164 : vector<16xi32>
        %rev3A_166 = tpu.dynamic_gather %masked_sort3A_156[%rev3A_165] in [0] : vector<16xi32>, vector<16xi32> -> vector<16xi32>
        %le3A_167 = arith.cmpf ole, %while3A_119, %rev3A_161 : vector<16xf32>
        %select_n3A_168 = arith.select %le3A_167, %while3A_119, %rev3A_161 : vector<16xi1>, vector<16xf32>
        %select_n3A_169 = arith.select %le3A_167, %while3A_120, %rev3A_166 : vector<16xi1>, vector<16xi32>
        %select_n3A_170 = arith.select %le3A_167, %rev3A_161, %while3A_119 : vector<16xi1>, vector<16xf32>
        %select_n3A_171 = arith.select %le3A_167, %rev3A_166, %while3A_120 : vector<16xi1>, vector<16xi32>
        %masked_sort3A_172 = arith.constant dense<true> : vector<16xi1>
        %masked_sort3A_173, %masked_sort3A_174, %masked_sort3A_175 = tpu.sort %select_n3A_168, %select_n3A_169 masked %masked_sort3A_172 : (vector<16xf32>, vector<16xi32>, vector<16xi1>) -> (vector<16xi1>, vector<16xf32>, vector<16xi32>)
        %masked_sort3A_176 = arith.constant dense<true> : vector<16xi1>
        %masked_sort3A_177, %masked_sort3A_178, %masked_sort3A_179 = tpu.sort %select_n3A_170, %select_n3A_171 masked %masked_sort3A_176 : (vector<16xf32>, vector<16xi32>, vector<16xi1>) -> (vector<16xi1>, vector<16xf32>, vector<16xi32>)
        scf.yield %masked_sort3A_174, %masked_sort3A_175, %masked_sort3A_178, %masked_sort3A_179 : vector<16xf32>, vector<16xi32>, vector<16xf32>, vector<16xi32>
      }
      %while3A_85 = arith.constant 1 : i32
      %while3A_86:4 = scf.for %while3A_118 = %while3A_82 to %while3A_78 step %while3A_85 iter_args(%while3A_119 = %while3A_84#0, %while3A_120 = %while3A_84#1, %while3A_121 = %while3A_84#2, %while3A_122 = %while3A_84#3) -> (vector<16xf32>, vector<16xi32>, vector<16xf32>, vector<16xi32>)  : i32 {
        %mul3A_123 = arith.constant 16 : i32
        %mul3A_124 = arith.muli %while3A_118, %mul3A_123 : i32
        %get3A_125 = arith.index_cast %mul3A_124 : i32 to index
        %get3A_126 = tpu.vector_load %arg8[%get3A_125] {strides = array<i32>} : memref<192xf32, #tpu.memory_space<vmem>>, vector<16xf32>,
        %mul3A_127 = arith.constant 16 : i32
        %mul3A_128 = arith.muli %while3A_118, %mul3A_127 : i32
        %get3A_129 = arith.index_cast %mul3A_128 : i32 to index
        %get3A_130 = tpu.vector_load %arg9[%get3A_129] {strides = array<i32>} : memref<192xi32, #tpu.memory_space<vmem>>, vector<16xi32>,
        %mul3A_131 = arith.constant 16 : i32
        %mul3A_132 = arith.muli %while3A_118, %mul3A_131 : i32
        %iota3A = tpu.iota {dimensions = array<i32: 0>} : vector<16xi32>
        %add3A_133 = vector.broadcast %mul3A_132 : i32 to vector<16xi32>
        %add3A_134 = arith.addi %add3A_133, %iota3A : vector<16xi32>
        %lt3A = vector.broadcast %scan3A_49#5 : i32 to vector<16xi32>
        %lt3A_135 = arith.cmpi slt, %add3A_134, %lt3A : vector<16xi32>
        %jit3A_136 = arith.constant 1.000000e+30 : f32
        %broadcast_in_dim3A_137 = vector.broadcast %jit3A_136 : f32 to vector<16xf32>
        %select_n3A_138 = arith.select %lt3A_135, %get3A_126, %broadcast_in_dim3A_137 : vector<16xi1>, vector<16xf32>
        %masked_sort3A = arith.constant dense<true> : vector<16xi1>
        %masked_sort3A_139, %masked_sort3A_140, %masked_sort3A_141 = tpu.sort %select_n3A_138, %get3A_130 masked %masked_sort3A : (vector<16xf32>, vector<16xi32>, vector<16xi1>) -> (vector<16xi1>, vector<16xf32>, vector<16xi32>)
        %rev3A = arith.constant 15 : i32
        %rev3A_142 = vector.broadcast %rev3A : i32 to vector<16xi32>
        %rev3A_143 = tpu.iota {dimensions = array<i32: 0>} : vector<16xi32>
        %rev3A_144 = arith.subi %rev3A_142, %rev3A_143 : vector<16xi32>
        %rev3A_145 = tpu.dynamic_gather %masked_sort3A_140[%rev3A_144] in [0] : vector<16xf32>, vector<16xi32> -> vector<16xf32>
        %rev3A_146 = arith.constant 15 : i32
        %rev3A_147 = vector.broadcast %rev3A_146 : i32 to vector<16xi32>
        %rev3A_148 = tpu.iota {dimensions = array<i32: 0>} : vector<16xi32>
        %rev3A_149 = arith.subi %rev3A_147, %rev3A_148 : vector<16xi32>
        %rev3A_150 = tpu.dynamic_gather %masked_sort3A_141[%rev3A_149] in [0] : vector<16xi32>, vector<16xi32> -> vector<16xi32>
        %le3A = arith.cmpf ole, %while3A_121, %rev3A_145 : vector<16xf32>
        %select_n3A_151 = arith.select %le3A, %while3A_121, %rev3A_145 : vector<16xi1>, vector<16xf32>
        %select_n3A_152 = arith.select %le3A, %while3A_122, %rev3A_150 : vector<16xi1>, vector<16xi32>
        %masked_sort3A_153 = arith.constant dense<true> : vector<16xi1>
        %masked_sort3A_154, %masked_sort3A_155, %masked_sort3A_156 = tpu.sort %select_n3A_151, %select_n3A_152 masked %masked_sort3A_153 : (vector<16xf32>, vector<16xi32>, vector<16xi1>) -> (vector<16xi1>, vector<16xf32>, vector<16xi32>)
        %rev3A_157 = arith.constant 15 : i32
        %rev3A_158 = vector.broadcast %rev3A_157 : i32 to vector<16xi32>
        %rev3A_159 = tpu.iota {dimensions = array<i32: 0>} : vector<16xi32>
        %rev3A_160 = arith.subi %rev3A_158, %rev3A_159 : vector<16xi32>
        %rev3A_161 = tpu.dynamic_gather %masked_sort3A_155[%rev3A_160] in [0] : vector<16xf32>, vector<16xi32> -> vector<16xf32>
        %rev3A_162 = arith.constant 15 : i32
        %rev3A_163 = vector.broadcast %rev3A_162 : i32 to vector<16xi32>
        %rev3A_164 = tpu.iota {dimensions = array<i32: 0>} : vector<16xi32>
        %rev3A_165 = arith.subi %rev3A_163, %rev3A_164 : vector<16xi32>
        %rev3A_166 = tpu.dynamic_gather %masked_sort3A_156[%rev3A_165] in [0] : vector<16xi32>, vector<16xi32> -> vector<16xi32>
        %le3A_167 = arith.cmpf ole, %while3A_119, %rev3A_161 : vector<16xf32>
        %select_n3A_168 = arith.select %le3A_167, %while3A_119, %rev3A_161 : vector<16xi1>, vector<16xf32>
        %select_n3A_169 = arith.select %le3A_167, %while3A_120, %rev3A_166 : vector<16xi1>, vector<16xi32>
        %select_n3A_170 = arith.select %le3A_167, %rev3A_161, %while3A_119 : vector<16xi1>, vector<16xf32>
        %select_n3A_171 = arith.select %le3A_167, %rev3A_166, %while3A_120 : vector<16xi1>, vector<16xi32>
        %masked_sort3A_172 = arith.constant dense<true> : vector<16xi1>
        %masked_sort3A_173, %masked_sort3A_174, %masked_sort3A_175 = tpu.sort %select_n3A_168, %select_n3A_169 masked %masked_sort3A_172 : (vector<16xf32>, vector<16xi32>, vector<16xi1>) -> (vector<16xi1>, vector<16xf32>, vector<16xi32>)
        %masked_sort3A_176 = arith.constant dense<true> : vector<16xi1>
        %masked_sort3A_177, %masked_sort3A_178, %masked_sort3A_179 = tpu.sort %select_n3A_170, %select_n3A_171 masked %masked_sort3A_176 : (vector<16xf32>, vector<16xi32>, vector<16xi1>) -> (vector<16xi1>, vector<16xf32>, vector<16xi32>)
        scf.yield %masked_sort3A_174, %masked_sort3A_175, %masked_sort3A_178, %masked_sort3A_179 : vector<16xf32>, vector<16xi32>, vector<16xf32>, vector<16xi32>
      }
      %reduce_max3A = arith.constant true
      %reduce_max3A_87 = vector.broadcast %reduce_max3A : i1 to vector<16xi1>
      %reduce_max3A_88 = tpu.scan <max>, %while3A_86#2 masked %reduce_max3A_87 : vector<16xf32>, vector<16xi1> -> vector<16xf32>
      %reduce_max3A_89 = vector.extract %reduce_max3A_88[15] : f32 from vector<16xf32>
      %mul3A_90 = arith.constant 32 : i32
      %mul3A_91 = arith.muli %scan3A_32, %mul3A_90 : i32
      %swap3A = arith.index_cast %mul3A_91 : i32 to index
      %swap3A_92 = tpu.vector_load %arg10[%swap3A] {strides = array<i32>} : memref<16000xf32, #tpu.memory_space<vmem>>, vector<16xf32>,
      tpu.vector_store %arg10[%swap3A], %while3A_86#0 {strides = array<i32>} : memref<16000xf32, #tpu.memory_space<vmem>>, vector<16xf32>,
      %mul3A_93 = arith.constant 32 : i32
      %mul3A_94 = arith.muli %scan3A_32, %mul3A_93 : i32
      %add3A_95 = arith.constant 16 : i32
      %add3A_96 = arith.addi %mul3A_94, %add3A_95 : i32
      %swap3A_97 = arith.index_cast %add3A_96 : i32 to index
      %swap3A_98 = tpu.vector_load %arg10[%swap3A_97] {strides = array<i32>} : memref<16000xf32, #tpu.memory_space<vmem>>, vector<16xf32>,
      tpu.vector_store %arg10[%swap3A_97], %while3A_86#2 {strides = array<i32>} : memref<16000xf32, #tpu.memory_space<vmem>>, vector<16xf32>,
      %mul3A_99 = arith.constant 1000 : i32
      %mul3A_100 = arith.muli %select_n3A, %mul3A_99 : i32
      %add3A_101 = vector.broadcast %mul3A_100 : i32 to vector<16xi32>
      %add3A_102 = arith.addi %while3A_86#1, %add3A_101 : vector<16xi32>
      %mul3A_103 = arith.constant 32 : i32
      %mul3A_104 = arith.muli %scan3A_32, %mul3A_103 : i32
      %swap3A_105 = arith.index_cast %mul3A_104 : i32 to index
      %swap3A_106 = tpu.vector_load %arg11[%swap3A_105] {strides = array<i32>} : memref<16000xi32, #tpu.memory_space<vmem>>, vector<16xi32>,
      tpu.vector_store %arg11[%swap3A_105], %add3A_102 {strides = array<i32>} : memref<16000xi32, #tpu.memory_space<vmem>>, vector<16xi32>,
      %mul3A_107 = arith.constant 1000 : i32
      %mul3A_108 = arith.muli %select_n3A, %mul3A_107 : i32
      %add3A_109 = vector.broadcast %mul3A_108 : i32 to vector<16xi32>
      %add3A_110 = arith.addi %while3A_86#3, %add3A_109 : vector<16xi32>
      %mul3A_111 = arith.constant 32 : i32
      %mul3A_112 = arith.muli %scan3A_32, %mul3A_111 : i32
      %add3A_113 = arith.constant 16 : i32
      %add3A_114 = arith.addi %mul3A_112, %add3A_113 : i32
      %swap3A_115 = arith.index_cast %add3A_114 : i32 to index
      %swap3A_116 = tpu.vector_load %arg11[%swap3A_115] {strides = array<i32>} : memref<16000xi32, #tpu.memory_space<vmem>>, vector<16xi32>,
      tpu.vector_store %arg11[%swap3A_115], %add3A_110 {strides = array<i32>} : memref<16000xi32, #tpu.memory_space<vmem>>, vector<16xi32>,
      %scan3A_117 = arith.constant 0 : i32
      scf.yield %scan3A_117 : i32
    }
    %scan3A_27 = arith.constant 500 : i32
    %mul3A_28 = arith.constant 32 : i32
    %mul3A_29 = arith.muli %mul3A_2, %mul3A_28 : i32
    "tpu.region"() ({
      %run_scoped3A = tpu.sem_alloc : memref<!tpu.dma_semaphore, #tpu.memory_space<semaphore_mem>>
      %dma_start3A = tpu.memref_slice %arg4[%mul3A_29] : memref<512000xf32, #tpu.memory_space<hbm>> -> memref<16000xf32, #tpu.memory_space<hbm>>
      %dma_start3A_32 = tpu.memref_slice %arg4[%mul3A_29] : memref<512000xf32, #tpu.memory_space<hbm>> -> memref<16000xf32, #tpu.memory_space<hbm>>
      tpu.enqueue_dma source(%arg10 : memref<16000xf32, #tpu.memory_space<vmem>>) target(%dma_start3A_32 : memref<16000xf32, #tpu.memory_space<hbm>>) target_semaphore(%run_scoped3A : memref<!tpu.dma_semaphore, #tpu.memory_space<semaphore_mem>>)
      %dma_wait3A = tpu.memref_slice %arg4[%mul3A_29] : memref<512000xf32, #tpu.memory_space<hbm>> -> memref<16000xf32, #tpu.memory_space<hbm>>
      %dma_wait3A_33 = tpu.memref_slice %arg4[%mul3A_29] : memref<512000xf32, #tpu.memory_space<hbm>> -> memref<16000xf32, #tpu.memory_space<hbm>>
      tpu.wait_dma2 semaphore(%run_scoped3A : memref<!tpu.dma_semaphore, #tpu.memory_space<semaphore_mem>>) src(%arg10 : memref<16000xf32, #tpu.memory_space<vmem>>) dst(%dma_wait3A_33 : memref<16000xf32, #tpu.memory_space<hbm>>)
      tpu.yield
    }) : () -> ()
    %mul3A_30 = arith.constant 32 : i32
    %mul3A_31 = arith.muli %mul3A_2, %mul3A_30 : i32
    "tpu.region"() ({
      %run_scoped3A = tpu.sem_alloc : memref<!tpu.dma_semaphore, #tpu.memory_space<semaphore_mem>>
      %dma_start3A = tpu.memref_slice %arg5[%mul3A_31] : memref<512000xi32, #tpu.memory_space<hbm>> -> memref<16000xi32, #tpu.memory_space<hbm>>
      %dma_start3A_32 = tpu.memref_slice %arg5[%mul3A_31] : memref<512000xi32, #tpu.memory_space<hbm>> -> memref<16000xi32, #tpu.memory_space<hbm>>
      tpu.enqueue_dma source(%arg11 : memref<16000xi32, #tpu.memory_space<vmem>>) target(%dma_start3A_32 : memref<16000xi32, #tpu.memory_space<hbm>>) target_semaphore(%run_scoped3A : memref<!tpu.dma_semaphore, #tpu.memory_space<semaphore_mem>>)
      %dma_wait3A = tpu.memref_slice %arg5[%mul3A_31] : memref<512000xi32, #tpu.memory_space<hbm>> -> memref<16000xi32, #tpu.memory_space<hbm>>
      %dma_wait3A_33 = tpu.memref_slice %arg5[%mul3A_31] : memref<512000xi32, #tpu.memory_space<hbm>> -> memref<16000xi32, #tpu.memory_space<hbm>>
      tpu.wait_dma2 semaphore(%run_scoped3A : memref<!tpu.dma_semaphore, #tpu.memory_space<semaphore_mem>>) src(%arg11 : memref<16000xi32, #tpu.memory_space<vmem>>) dst(%dma_wait3A_33 : memref<16000xi32, #tpu.memory_space<hbm>>)
      tpu.yield
    }) : () -> ()
    return
  }
}

module attributes {stable_mosaic.version = 14 : i64} {
  func.func @_edge_body(%arg0: i32, %arg1: memref<512x1xf32, #tpu.memory_space<vmem>>, %arg2: memref<1x128xf32, #tpu.memory_space<vmem>>, %arg3: memref<1x128xf32, #tpu.memory_space<vmem>>, %arg4: memref<512x128xf32, #tpu.memory_space<vmem>>, %arg5: memref<512x1xi32, #tpu.memory_space<vmem>>) attributes {dimension_semantics = [#tpu.dimension_semantics<arbitrary>], iteration_bounds = array<i64: 1000>, scalar_prefetch = 0 : i64, scratch_operands = 0 : i64, tpu.core_type = #tpu.core_type<tc>, window_params = [{transform_indices = @transform_0, window_bounds = array<i64: 512, 1>}, {pipeline_mode = #tpu.pipeline_mode<synchronous>, transform_indices = @transform_1, window_bounds = array<i64: 1, 128>}, {pipeline_mode = #tpu.pipeline_mode<synchronous>, transform_indices = @transform_2, window_bounds = array<i64: 1, 128>}, {transform_indices = @transform_3, window_bounds = array<i64: 512, 128>}, {transform_indices = @transform_4, window_bounds = array<i64: 512, 1>}]} {
    %get3A = arith.constant 0 : index
    %get3A_0 = arith.constant 0 : index
    %get3A_1 = vector.load %arg1[%get3A, %get3A_0] : memref<512x1xf32, #tpu.memory_space<vmem>>, vector<512x1xf32>
    %add3A = arith.constant 9.99999996E-13 : f32
    %add3A_2 = vector.broadcast %add3A : f32 to vector<512x1xf32>
    %add3A_3 = arith.addf %get3A_1, %add3A_2 : vector<512x1xf32>
    %sqrt3A = math.sqrt %add3A_3 : vector<512x1xf32>
    %get3A_4 = arith.constant 0 : index
    %get3A_5 = arith.constant 0 : index
    %get3A_6 = vector.load %arg2[%get3A_4, %get3A_5] : memref<1x128xf32, #tpu.memory_space<vmem>>, vector<1x128xf32>
    %mul3A = vector.broadcast %sqrt3A : vector<512x1xf32> to vector<512x128xf32>
    %mul3A_7 = vector.broadcast %get3A_6 : vector<1x128xf32> to vector<512x128xf32>
    %mul3A_8 = arith.mulf %mul3A, %mul3A_7 : vector<512x128xf32>
    %get3A_9 = arith.constant 0 : index
    %get3A_10 = arith.constant 0 : index
    %get3A_11 = vector.load %arg3[%get3A_9, %get3A_10] : memref<1x128xf32, #tpu.memory_space<vmem>>, vector<1x128xf32>
    %add3A_12 = vector.broadcast %get3A_11 : vector<1x128xf32> to vector<512x128xf32>
    %add3A_13 = arith.addf %mul3A_8, %add3A_12 : vector<512x128xf32>
    %swap3A = arith.constant 0 : index
    %swap3A_14 = arith.constant 0 : index
    %swap3A_15 = vector.load %arg4[%swap3A, %swap3A_14] : memref<512x128xf32, #tpu.memory_space<vmem>>, vector<512x128xf32>
    tpu.vector_store %arg4[%swap3A, %swap3A_14], %add3A_13 {strides = array<i32>} : memref<512x128xf32, #tpu.memory_space<vmem>>, vector<512x128xf32>,
    %iota3A = tpu.iota {dimensions = array<i32: 0>} : vector<512x1xi32>
    %mul3A_16 = arith.constant 512 : i32
    %mul3A_17 = arith.muli %arg0, %mul3A_16 : i32
    %add3A_18 = vector.broadcast %mul3A_17 : i32 to vector<512x1xi32>
    %add3A_19 = arith.addi %add3A_18, %iota3A : vector<512x1xi32>
    %shift_right_logical3A = arith.constant 5 : i32
    %shift_right_logical3A_20 = vector.broadcast %shift_right_logical3A : i32 to vector<512x1xi32>
    %shift_right_logical3A_21 = arith.shrui %add3A_19, %shift_right_logical3A_20 : vector<512x1xi32>
    %swap3A_22 = arith.constant 0 : index
    %swap3A_23 = arith.constant 0 : index
    %swap3A_24 = vector.load %arg5[%swap3A_22, %swap3A_23] : memref<512x1xi32, #tpu.memory_space<vmem>>, vector<512x1xi32>
    tpu.vector_store %arg5[%swap3A_22, %swap3A_23], %shift_right_logical3A_21 {strides = array<i32>} : memref<512x1xi32, #tpu.memory_space<vmem>>, vector<512x1xi32>,
    return
  }
  func.func @transform_0(%arg0: i32) -> (i32, i32) {
    %c0_i32 = arith.constant 0 : i32
    %c0_i32_0 = arith.constant 0 : i32
    return %arg0, %c0_i32 : i32, i32
  }
  func.func @transform_1(%arg0: i32) -> (i32, i32) {
    %c0_i32 = arith.constant 0 : i32
    %c0_i32_0 = arith.constant 0 : i32
    %c0_i32_1 = arith.constant 0 : i32
    return %c0_i32, %c0_i32_0 : i32, i32
  }
  func.func @transform_2(%arg0: i32) -> (i32, i32) {
    %c0_i32 = arith.constant 0 : i32
    %c0_i32_0 = arith.constant 0 : i32
    %c0_i32_1 = arith.constant 0 : i32
    return %c0_i32, %c0_i32_0 : i32, i32
  }
  func.func @transform_3(%arg0: i32) -> (i32, i32) {
    %c0_i32 = arith.constant 0 : i32
    %c0_i32_0 = arith.constant 0 : i32
    return %arg0, %c0_i32 : i32, i32
  }
  func.func @transform_4(%arg0: i32) -> (i32, i32) {
    %c0_i32 = arith.constant 0 : i32
    %c0_i32_0 = arith.constant 0 : i32
    return %arg0, %c0_i32 : i32, i32
  }
}

</mosaic_0001>

<sc_bundles>
// kernel: kernel.4.cloned.1.call-start
scs
__scs_entry_jumppad:
0x0: {  	(pc) =	sbr.rel $0x88, $3  }
0x1: {  	(tag) =	ssettag $0x0;
	lr =	simm.s32 $0x1  }
0x2: {  	[smem:$0x3F9D] =	sst lr;
	_ =	strace $0xD0000000  }
0x3: {  	_ = 	snop  }
0x4: {  	_ = 	snop  }
0x5: {  	_ = 	snop  }
0x6: {  	_ = 	snop  }
0x7: {  	_ = 	snop  }
__scs_overlays_trampoline_lowered:
0x8: {  	[smem:$0x3FAC] =	sst s0  }
0x9: {  	[smem:$0x3FAD] =	sst s1  }
0xa: {  	[smem:$0x3FAE] =	sst s2  }
0xb: {  	[smem:$0x3FAF] =	sst s3  }
0xc: {  	[smem:$0x3FB0] =	sst s4  }
0xd: {  	[smem:$0x3FB1] =	sst s5  }
0xe: {  	[smem:$0x3FB2] =	sst s6  }
0xf: {  	[smem:$0x3FB3] =	sst s7  }
0x10: {  	[smem:$0x3FB4] =	sst s8  }
0x11: {  	[smem:$0x3FB5] =	sst s9;
	s0 =	simm.s32 @!p0 $0x0  }
0x12: {  	s1 =	sld [smem:$0x3F9B];
	s0 =	simm.s32 @p0 $0x1  }
0x13: {  	[smem:$0x3FB6] =	sst s0;
	s0 =	simm.s32 @!p1 $0x0  }
0x14: {  	s2 =	sld [smem:$0x3F9A];
	s0 =	simm.s32 @p1 $0x1  }
0x15: {  	[smem:$0x3FB7] =	sst s0;
	s0 =	simm.s32 @!p2 $0x0  }
0x16: {  	s3 =	sld [smem:$0x3FDB];
	s0 =	simm.s32 @p2 $0x1  }
0x17: {  	s4 =	simm.s32 $0x1BF5;
	[smem:$0x3FB9] =	sst s0  }
0x18: {  	s0 =	sld [smem:$0x3F9C];
	_ =	swait.ge [sflag:s4], $0x0  }
0x19: {  	s7 =	sld [smem:$0x3F9D]  }
0x1a: {  	s8 =	sadd.s32 $0xFFFFE003, lr  }
0x1b: {  	s9 =	sadd.s32 $0xFFFFFEF7, lr;
	s5 =	simm.s32 $0xFFFFFFFF;
	p2 =	slt.u32 s8, $0xFFFFF086  }
0x1c: {  	p1 =	slt.u32 s9, $0xF7A;
	s5 =	simm.s32 @!p2 $0x0  }
0x1d: {  	s5 =	simm.s32 @p1 $0x1;
	p0 =	seq.s32 s7, s2  }
0x1e: {  	s7 =	smul.u32 @!p0 $0xF7A, s2;
	p2 =	seq.s32 @!p0 s5, $0x0  }
0x1f: {  	s9 =	smul.u32 $0xF7A, s1;
	s8 =	simm.s32 @!p0 $0x1BF5;
	p2 =	por !p2, p0  }
0x20: {  	[sflag:s8] =	ssyncset.s32 @!p0 $0xFFFFF086;
	s6 =	sadd.s32 @!p0 s3, s7;
	s7 =	simm.s32 @!p0 $0x108  }
0x21: {  	s3 =	sadd.s32 s3, s9;
	s6 =	sadd.s32 @!p0 $0x88, s6;
	s7 =	simm.s32 @p2 $0x1082  }
0x22: {  	[simem:s7], [sflag:s8] =	dma.local @!p0 [hbm:s6], $0xF7A  }
0x23: {  	s9 =	sor.u32 $0xD0000000, s2;
	s6 =	simm.s32 $0x108;
	_ =	swait.ge @!p0 [sflag:s8], $0x0  }
0x24: {  	s3 =	sadd.s32 $0x88, s3;
	s6 =	simm.s32 @!p1 $0x1082;
	[sflag:s4] =	ssyncset.s32 $0xFFFFF086  }
0x25: {  	[simem:s6], [sflag:s4] =	dma.local [hbm:s3], $0xF7A  }
0x26: {  	[smem:$0x3F9D] =	sst s1;
	(tag) =	ssettag s2;
	_ =	strace s9  }
0x27: {  	s1 =	sld [smem:$0x3FAD]  }
0x28: {  	s2 =	sld [smem:$0x3FAE]  }
0x29: {  	s4 =	sld [smem:$0x3FB0]  }
0x2a: {  	p0 =	seq.s32 s5, $0x0;
	s5 =	sld [smem:$0x3FB1]  }
0x2b: {  	s6 =	sld [smem:$0x3FB2]  }
0x2c: {  	s7 =	sld [smem:$0x3FB3]  }
0x2d: {  	s3 =	simm.s32 $0x108;
	s8 =	sld [smem:$0x3FB4]  }
0x2e: {  	s3 =	simm.s32 @!p0 $0x1082;
	s9 =	sld [smem:$0x3FB5]  }
0x2f: {  	lr =	sadd.s32 s0, s3;
	s0 =	sld [smem:$0x3FAC]  }
0x30: {  	s3 =	sld [smem:$0x3FAF]  }
0x31: {  	[smem:$0x3FB8] =	sst s10  }
0x32: {  	s10 =	sld [smem:$0x3FB6];
	_ =	sdelay $0x3  }
0x33: {  	p0 =	seq.s32 s10, $0x1;
	s10 =	sld [smem:$0x3FB8];
	_ =	sdelay $0x3  }
0x34: {  	[smem:$0x3FB8] =	sst s10  }
0x35: {  	s10 =	sld [smem:$0x3FB7];
	_ =	sdelay $0x3  }
0x36: {  	p1 =	seq.s32 s10, $0x1;
	s10 =	sld [smem:$0x3FB8];
	_ =	sdelay $0x3  }
0x37: {  	[smem:$0x3FB8] =	sst s10  }
0x38: {  	s10 =	sld [smem:$0x3FB9]  }
0x39: {  	_ = 	snop;
	(pc) =	sbr.ind lr, $3  }
0x3a: {  	_ = 	snop  }
0x3b: {  	_ = 	snop  }
0x3c: {  	p2 =	seq.s32 s10, $0x1;
	s10 =	sld [smem:$0x3FB8]  }
0x3d: {  	_ =	shalt  }
0x3e: {  	_ =	shalt  }
0x3f: {  	_ =	shalt  }
0x40: {  	_ =	shalt  }
0x41: {  	_ =	shalt  }
0x42: {  	_ =	shalt  }
0x43: {  	_ =	shalt  }
0x44: {  	_ =	shalt  }
0x45: {  	_ =	shalt  }
0x46: {  	_ =	shalt  }
0x47: {  	_ =	shalt  }
0x48: {  	_ =	shalt  }
0x49: {  	_ =	shalt  }
0x4a: {  	_ =	shalt  }
0x4b: {  	_ =	shalt  }
0x4c: {  	_ =	shalt  }
0x4d: {  	_ =	shalt  }
0x4e: {  	_ =	shalt  }
0x4f: {  	_ =	shalt  }
0x50: {  	_ =	shalt  }
0x51: {  	_ =	shalt  }
0x52: {  	_ =	shalt  }
0x53: {  	_ =	shalt  }
0x54: {  	_ =	shalt  }
0x55: {  	_ =	shalt  }
0x56: {  	_ =	shalt  }
0x57: {  	_ =	shalt  }
0x58: {  	_ =	shalt  }
0x59: {  	_ =	shalt  }
0x5a: {  	_ =	shalt  }
0x5b: {  	_ =	shalt  }
0x5c: {  	_ =	shalt  }
0x5d: {  	_ =	shalt  }
0x5e: {  	_ =	shalt  }
0x5f: {  	_ =	shalt  }
0x60: {  	_ =	shalt  }
0x61: {  	_ =	shalt  }
0x62: {  	_ =	shalt  }
0x63: {  	_ =	shalt  }
0x64: {  	_ =	shalt  }
0x65: {  	_ =	shalt  }
0x66: {  	_ =	shalt  }
0x67: {  	_ =	shalt  }
0x68: {  	_ =	shalt  }
0x69: {  	_ =	shalt  }
0x6a: {  	_ =	shalt  }
0x6b: {  	_ =	shalt  }
0x6c: {  	_ =	shalt  }
0x6d: {  	_ =	shalt  }
0x6e: {  	_ =	shalt  }
0x6f: {  	_ =	shalt  }
0x70: {  	_ =	shalt  }
0x71: {  	_ =	shalt  }
0x72: {  	_ =	shalt  }
0x73: {  	_ =	shalt  }
0x74: {  	_ =	shalt  }
0x75: {  	_ =	shalt  }
0x76: {  	_ =	shalt  }
0x77: {  	_ =	shalt  }
0x78: {  	_ =	shalt  }
0x79: {  	_ =	shalt  }
0x7a: {  	_ =	shalt  }
0x7b: {  	_ =	shalt  }
0x7c: {  	_ =	shalt  }
0x7d: {  	_ =	shalt  }
0x7e: {  	_ =	shalt  }
0x7f: {  	_ =	shalt  }
0x80: {  	_ =	shalt  }
0x81: {  	_ =	shalt  }
0x82: {  	_ =	shalt  }
0x83: {  	_ =	shalt  }
0x84: {  	_ =	shalt  }
0x85: {  	_ =	shalt  }
0x86: {  	_ =	shalt  }
0x87: {  	_ =	shalt  }
.Lfunc_end0:
.L_simem_size_0:
called_computation_lowered:
.L_overlay_start_0:
0x88: {  	s2 =	sld [smem:$0x3FD9]  }
0x89: {  	s3 =	sld [smem:$0x3FFE];
	_ =	sdelay $0x1  }
0x8a: {  	s1 =	srdreg.scid  }
0x8b: {  	s0 =	sand.u32 $0x1, s1  }
0x8c: {  	s14 =	sshll.u32 s0, $0xA;
	s2 =	sadd.s32 s3, s2  }
0x8d: {  	s2 =	sadd.s32 s2, s14  }
0x8e: {  	[smem:$0x3FC4] =	sst s2  }
0x8f: {  	_ = 	snop  }
0x90: {  	s2 =	sld [smem:$0x3FD0];
	_ =	sdelay $0x2  }
0x91: {  	s15 =	simm.s32 $0xA;
	s4 =	simm.s32 $0x10  }
0x92: {  	[smem:s4], [sflag:s15] =	dma.local [hbm:s2], $0x1  }
0x93: {  	_ =	swait.eq [sflag:s15], $0x1  }
0x94: {  	s16 =	sld [smem:$0x10];
	[sflag:s15] =	ssyncset.done $0x0  }
0x95: {  	s17 =	sld [smem:$0x11];
	[sflag:s15] =	ssyncadd.s32 $0xFFFFFFFF  }
0x96: {  	s18 =	sld [smem:$0x12];
	(tm) =	ssettm $0x1  }
0x97: {  	s5 =	sld [smem:$0x3FFB];
	_ =	sdelay $0x3  }
0x98: {  	_ =	strace s5  }
0x99: {  	s5 =	sld [smem:$0x3FFC];
	_ =	sdelay $0x3  }
0x9a: {  	_ =	strace s5  }
0x9b: {  	s5 =	sld [smem:$0x3FFD];
	_ =	sdelay $0x3  }
0x9c: {  	_ =	strace s5  }
0x9d: {  	_ =	strace $0x8FFFFFFF  }
0x9e: {  	s19 =	sld [smem:$0x3FDB];
	_ =	sdelay $0x1  }
0x9f: {  	s6 =	simm.s32 $_scs_section_size  }
0xa0: {  	s7 =	simm.s32 $_size__tile_overlayer_lowered;
	s8 =	simm.s32 $_tile_overlayer_lowered  }
0xa1: {  	s22 =	simm.s32 $0x1BFF;
	s21 =	sshll.u32 s8, $0x1;
	s5 =	sadd.s32 s6, s19  }
0xa2: {  	s9 =	simm.s32 $0x0;
	s20 =	sshll.u32 s7, $0x1;
	s7 =	sadd.s32 s21, s5  }
0xa3: {  	[timem:s9], [sflag:s22] =	dma.local [hbm:s7], s20  }
0xa4: {  	_ =	swait.ge [sflag:s22], s20  }
0xa5: {  	s6 =	ssub.s32 $0x0, s20;
	[sflag:s22] =	ssyncset.done $0x0  }
0xa6: {  	[sflag:s22] =	ssyncadd.s32 s6;
	_ =	sdelay $0x1  }
0xa7: {  	s23 =	simm.s32 $0x1B8B  }
0xa8: {  	_ =	swait.ge [sflag:s23], $0x1  }
0xa9: {  	[sflag:s23] =	ssyncset.done $0x0  }
0xaa: {  	s25 =	simm.s32 $0x1B8E;
	s24 =	sld [smem:$0x3FFE];
	[sflag:s23] =	ssyncadd.s32 $0xFFFFFFFF  }
0xab: {  	s26 =	simm.s32 $execute0_lowered;
	[smem:$0x3FD2] =	sst s25  }
0xac: {  	s7 =	sshll.u32 s26, $0x1;
	_ =	strace $0x80000046;
	[dreg:$0x1] =	wrdreg $0xFFFFFFFF  }
0xad: {  	s28 =	simm.s32 $_size_execute0_lowered;
	s5 =	sadd.s32 s5, s7;
	[dreg:$0x0] =	wrdreg $0x0  }
0xae: {  	s7 =	sshll.u32 s28, $0x1;
	[dreg:$0x2] =	wrdreg s5  }
0xaf: {  	[dreg:$0x3] =	wrdreg s7  }
0xb0: {  	[dreg:$0x4] =	wrdreg $0xC0  }
0xb1: {  	_ =	task [dreg:s9], $0x5FFFF  }
0xb2: {  	[dreg:$0x1] =	wrdreg $0xFFFFFFFF  }
0xb3: {  	[dreg:$0x0] =	wrdreg $0x60  }
0xb4: {  	[dreg:$0x2] =	wrdreg s18  }
0xb5: {  	[dreg:$0x3] =	wrdreg s24  }
0xb6: {  	[dreg:$0x4] =	wrdreg s17  }
0xb7: {  	[dreg:$0x5] =	wrdreg s16  }
0xb8: {  	[dreg:$0x6] =	wrdreg $0x9  }
0xb9: {  	_ =	task.clear_ibuf [dreg:s9], $0x7FFFF;
	_ =	strace $0x90000046  }
0xba: {  	s29 =	simm.s32 $0x9;
	_ =	strace $0x80000048  }
0xbb: {  	_ =	swait.ge [sflag:s29], $0x1  }
0xbc: {  	[sflag:s29] =	ssyncadd.s32 $0xFFFFFFFF  }
0xbd: {  	_ =	strace $0x90000048  }
0xbe: {  	_ =	sfence  }
0xbf: {  	s30 =	sld [smem:$0x0];
	_ =	sdelay $0x2  }
0xc0: {  	s31 =	sshll.u32 s1, $0xD;
	s1 =	sshrl.u32 s1, $0x2  }
0xc1: {  	s3 =	sand.u32 $0x4000, s31;
	s1 =	sadd.s32 s1, s30  }
0xc2: {  	s0 =	sor.u32 s3, s0;
	s1 =	sshll.u32 s1, $0x11  }
0xc3: {  	s0 =	sor.u32 s1, s0  }
0xc4: {  	s0 =	sadd.s32 $0x8F2B, s0  }
0xc5: {  	[sflag:s0] =	ssyncadd.remote.s32 $0x1  }
0xc6: {  	_ =	sfence.sel $0xFFFF  }
0xc7: {  	[dreg:$0x0] =	wrdreg $0xFFFFFFFF;
	(pc) =	sbr.abs _section_cstart, $3  }
0xc8: {  	[dreg:$0x1] =	wrdreg $0xFFFFFFFF  }
0xc9: {  	_ =	task.clear_ibuf [dreg:s9], $0x2FFFF;
	_ =	strace $0x9FFFFFFF  }
0xca: {  	(tm) =	ssettm $0x7FFFFFFF  }
0xcb: {  	_ =	shalt  }
tec
execute0_lowered:
.L_overlay_start_1:
0x0: {  	(tag) =	ssettag $0x1  }
0x1: {  	s4 =	rddreg [dreg:$0x0]  }
0x2: {  	s3 =	rddreg [dreg:$0x1]  }
0x3: {  	s6 =	rddreg [dreg:$0x2]  }
0x4: {  	s7 =	rddreg [dreg:$0x3]  }
0x5: {  	s0 =	rddreg [dreg:$0x4];
	s2 =	simm.s32 $0x0  }
0x6: {  	s1 =	stileid.u32;
	s5 =	srdreg.scid;
	s13 =	simm.s32 $0x900  }
0x7: {  	s15 =	simm.s32 $0x4880;
	s16 =	simm.s32 $0x0;
	[smem:$0x7FF] =	sst s2  }
0x8: {  	s5 =	sand.u32 $0x1, s5;
	s8 =	sshll.u32 s1, $0x1;
	s9 =	sshll.u32 s1, $0x7  }
0x9: {  	s10 =	sshll.u32 s1, $0x4;
	s14 =	smul.u32 $0x3E8, s1;
	s8 =	sor.u32 s5, s8  }
0xa: {  	_ =	strace $0x80000047;
	s9 =	sor.u32 s10, s9;
	s30 =	smul.u32 $0x1F4, s8  }
0xb: {  	s5 =	ssub.s32 $0x2, s5;
	s10 =	simm.s32 $0x400;
	s8 =	smul.u32 $0x7D0, s8  }
.Ltmp0:
0xc: {  	s9 =	sand.u32 $0x470, s9;
	s31 =	sshrl.u32 s5, $0x1;
	(pc) =	sbr.rel .LBB2_1-.Ltmp0, $4  }
0xd: {  	v0 =	vlaneseq.u32;
	s11 =	sadd.s32 s9, s3;
	s12 =	ssub.s32 s5, s31;
	s4 =	sadd.s32 s4, s9  }
0xe: {  	v3 =	vmul.u32 $0xFFFFFFFF, v0;
	s9 =	simm.s32 $0x80;
	s3 =	ssub.s32 s30, s14;
	s5 =	sadd.s32 $0x1800, s11  }
0xf: {  	s6 =	sadd.s32 s6, s8;
	s7 =	sadd.s32 s7, s8;
	s8 =	smax.u32 s12, $0x1  }
0x10: {  	v2 =	vimm.s32 $0x0;
	v1 =	vmov s14;
	v3 =	vadd.s32 $0xF, v3;
	s11 =	simm.s32 $0x1;
	s12 =	simm.s32 $0x800;
	s14 =	simm.s32 $0xA00  }
.LBB2_21:
0x11: {  	[hbm4b:s6+s2] =	stream.linear.scatter [tilespmem:s14], [sflag:$0x1], $0x3E80, $0x38;
	[tilespmem:$0x8700] =	vst v63  }
0x12: {  	s16 =	sadd.s32 $0x1, s16;
	_ =	swait.ge [sflag:s11], $0x3E80  }
0x13: {  	p0 =	sne.s32 s16, s8;
	[sflag:s11] =	ssyncset.done $0x0  }
.Ltmp1:
0x14: {  	[sflag:s11] =	ssyncadd.s32 $0xFFFFC180;
	(pc) =	sbr.rel @!p0 .LBB2_22-.Ltmp1, $4  }
0x15: {  	[hbm4b:s7+s2] =	stream.linear.scatter [tilespmem:s15], [sflag:$0x1], $0x3E80, $0x38;
	[tilespmem:$0x8700] =	vst v63  }
0x16: {  	_ =	swait.ge [sflag:s11], $0x3E80  }
0x17: {  	[sflag:s11] =	ssyncset.done $0x0  }
0x18: {  	[sflag:s11] =	ssyncadd.s32 $0xFFFFC180  }
.LBB2_1:
0x19: {  	[tilespmem:s2], [sflag:$0x1] =	stream.strided.gather [hbm4b:s4+s9], $0x400, s10, s9, $0x38;
	[tilespmem:$0x8700] =	vst v63  }
0x1a: {  	_ =	swait.ge [sflag:s11], $0x400  }
0x1b: {  	[sflag:s11] =	ssyncset.done $0x0  }
.Ltmp2:
0x1c: {  	[sflag:s11] =	ssyncadd.s32 $0xFFFFFC00;
	(pc) =	sbr.rel .LBB2_2-.Ltmp2, $4  }
0x1d: {  	[tilespmem:s10], [sflag:$0x1] =	stream.strided.gather [hbm4b:s5+s9], $0x400, s10, s9, $0x38;
	[tilespmem:$0x8700] =	vst v63  }
0x1e: {  	_ =	swait.ge [sflag:s11], $0x400  }
0x1f: {  	[sflag:s11] =	ssyncset.done $0x0  }
0x20: {  	s17 =	simm.s32 $0x0;
	[sflag:s11] =	ssyncadd.s32 $0xFFFFFC00  }
.LBB2_15:
0x21: {  	v10 =	vmov v5;
	v9 =	vmov v4  }
.LBB2_19:
0x22: {  	_ =	sdelay $0x4  }
0x23: {  	v8, v11, _ =	vpop @p0 (xrf1)  }
0x24: {  	v8 =	vperm.xlane @p0 v8, v3  }
0x25: {  	v11 =	vperm.xlane @p0 v11, v3  }
0x26: {  	vm0 =	vle.f32 @p0 v10, v8  }
0x27: {  	v12 =	vsel @p0 vm0, v8, v10;
	v13 =	vsel @p0 vm0, v11, v9  }
0x28: {  	(xrf1) =	vsort.ascd.msk.f32 @p0 $0xffff, v12, v13;
	_ =	sdelay $0xc  }
0x29: {  	v12, v13, _ =	vpop (xrf1)  }
0x2a: {  	v12 =	vperm.xlane v12, v3;
	v14, v15, _ =	vpop @p0 (xrf1)  }
0x2b: {  	v8 =	vsel @p0 vm0, v10, v8;
	v63 =	vperm.xlane v13, v3;
	v7 =	vpsel p0, v14, v7  }
0x2c: {  	v9 =	vsel @p0 vm0, v9, v11;
	v6 =	vpsel p0, v15, v6;
	vm14 =	vle.f32 v7, v12  }
0x2d: {  	(xrf1) =	vsort.ascd.msk.f32 @p0 $0xffff, v8, v9;
	v7 =	vsel vm14, v7, v12;
	v6 =	vsel vm14, v6, v63  }
0x2e: {  	(xrf1) =	vsort.ascd.msk.f32 $0xffff, v7, v6;
	_ =	sdelay $0xc  }
0x2f: {  	v6, v7, _ =	vpop @p0 (xrf1)  }
0x30: {  	v8, v9, _ =	vpop (xrf1)  }
0x31: {  	v8 =	vperm.xlane v8, v3  }
0x32: {  	v5 =	vpsel p0, v6, v5;
	v6 =	vperm.xlane v9, v3  }
0x33: {  	v4 =	vpsel p0, v7, v4;
	vm15 =	vle.f32 v5, v8  }
0x34: {  	v7 =	vsel vm15, v8, v5;
	v9 =	vsel vm15, v6, v4  }
0x35: {  	v5 =	vsel vm15, v5, v8;
	v4 =	vsel vm15, v4, v6;
	(xrf1) =	vsort.ascd.msk.f32 $0xffff, v7, v9  }
0x36: {  	(xrf1) =	vsort.ascd.msk.f32 $0xffff, v5, v4;
	_ =	sdelay $0xc  }
0x37: {  	v7, v6, _ =	vpop (xrf1)  }
0x38: {  	v5, v4, _ =	vpop (xrf1)  }
.LBB2_20:
0x39: {  	s18 =	sshll.u32 s17, $0x5;
	s17 =	sadd.s32 $0x1, s17  }
0x3a: {  	p0 =	sne.s32 s17, $0x1F4  }
.Ltmp3:
0x3b: {  	_ = 	snop;
	(pc) =	sbr.rel @!p0 .LBB2_21-.Ltmp3, $4  }
0x3c: {  	[tilespmem:s18+$0xA00] =	vst v5  }
0x3d: {  	v4 =	vadd.s32 v1, v4;
	[tilespmem:s18+$0xA10] =	vst v7  }
0x3e: {  	[tilespmem:s18+$0x4880] =	vst v4;
	v4 =	vadd.s32 v1, v6  }
0x3f: {  	[tilespmem:s18+$0x4890] =	vst v4  }
.LBB2_2:
.Ltmp4:
0x40: {  	(pc) =	sbr.rel .LBB2_3-.Ltmp4, $4  }
0x41: {  	_ = 	snop  }
0x42: {  	s18 =	sadd.s32 s3, s17  }
0x43: {  	v7 =	vimm.f32 $1.000000020e+30;
	v6 =	vimm.s32 $0x0;
	v8 =	vld.msk [tilespmem:s18+$0x0 ss:$0x0], $0xffff  }
0x44: {  	s20 =	simm.f32 $1.000000020e+30;
	v4 =	vimm.s32 $0x0;
	v5 =	vimm.f32 $1.000000020e+30;
	s19 =	simm.s32 $0x0;
	v9 =	vmov s18;
	v10 =	vld.msk [tilespmem:s18+$0x400 ss:$0x0], $0xffff;
	s18 =	simm.s32 $0x0  }
.LBB2_6:
0x45: {  	v13 =	vmov v5;
	v12 =	vmov v4  }
.LBB2_10:
0x46: {  	_ =	sdelay $0x4  }
0x47: {  	v11, v14, _ =	vpop @p0 (xrf1)  }
0x48: {  	v11 =	vperm.xlane @p0 v11, v3  }
0x49: {  	v14 =	vperm.xlane @p0 v14, v3  }
0x4a: {  	vm0 =	vle.f32 @p0 v13, v11  }
0x4b: {  	v15 =	vsel @p0 vm0, v11, v13;
	v16 =	vsel @p0 vm0, v14, v12  }
0x4c: {  	(xrf1) =	vsort.ascd.msk.f32 @p0 $0xffff, v15, v16;
	_ =	sdelay $0xc  }
0x4d: {  	v15, v16, _ =	vpop (xrf1)  }
0x4e: {  	v15 =	vperm.xlane v15, v3;
	v17, v18, _ =	vpop @p0 (xrf1)  }
0x4f: {  	v11 =	vsel @p0 vm0, v13, v11;
	v63 =	vperm.xlane v16, v3;
	v7 =	vpsel p0, v17, v7  }
0x50: {  	v12 =	vsel @p0 vm0, v12, v14;
	v6 =	vpsel p0, v18, v6;
	vm14 =	vle.f32 v7, v15  }
0x51: {  	(xrf1) =	vsort.ascd.msk.f32 @p0 $0xffff, v11, v12;
	v7 =	vsel vm14, v7, v15;
	v6 =	vsel vm14, v6, v63  }
0x52: {  	(xrf1) =	vsort.ascd.msk.f32 $0xffff, v7, v6;
	_ =	sdelay $0xc  }
0x53: {  	v6, v7, _ =	vpop @p0 (xrf1)  }
0x54: {  	v11, v12, _ =	vpop (xrf1)  }
0x55: {  	v11 =	vperm.xlane v11, v3  }
0x56: {  	v5 =	vpsel p0, v6, v5;
	v6 =	vperm.xlane v12, v3  }
0x57: {  	v4 =	vpsel p0, v7, v4;
	vm15 =	vle.f32 v5, v11  }
0x58: {  	v7 =	vsel vm15, v11, v5;
	v12 =	vsel vm15, v6, v4  }
0x59: {  	v5 =	vsel vm15, v5, v11;
	v4 =	vsel vm15, v4, v6;
	(xrf1) =	vsort.ascd.msk.f32 $0xffff, v7, v12  }
0x5a: {  	(xrf1) =	vsort.ascd.msk.f32 $0xffff, v5, v4;
	_ =	sdelay $0xc  }
0x5b: {  	v7, v6, _ =	vpop (xrf1)  }
0x5c: {  	v5, v4, _ =	vpop (xrf1)  }
.LBB2_11:
0x5d: {  	(xrf0) =	vmax.scan.msk.f32 $0xffff, v7;
	_ =	sdelay $0x5  }
0x5e: {  	v11, _, _ =	vpop (xrf0)  }
0x5f: {  	(v2sf) =	vpush v11, $0xF;
	_ =	sdelay $0xe  }
0x60: {  	s20 =	spop (v2sf)  }
.LBB2_12:
0x61: {  	s19 =	sadd.s32 $0x1, s19  }
0x62: {  	p1 =	sne.s32 s19, $0x40  }
.Ltmp5:
0x63: {  	_ = 	snop;
	(pc) =	sbr.rel @!p1 .LBB2_13-.Ltmp5, $3  }
0x64: {  	_ =	sdelay $0x1  }
0x65: {  	p0 =	sgt.s32 s18, $0x9F  }
0x66: {  	s18 =	simm.s32 @p0 $0x0  }
.LBB2_3:
0x67: {  	s21 =	sshll.u32 s19, $0x4  }
0x68: {  	v11 =	vld [tilespmem:s21+$0x0]  }
0x69: {  	v12 =	vld [tilespmem:s21+$0x400];
	_ =	sdelay $0x4  }
0x6a: {  	v11 =	vsub.f32 v11, v8;
	v12 =	vsub.f32 v12, v10;
	_ =	sdelay $0x1  }
0x6b: {  	v11 =	vmul.f32 v11, v11;
	v12 =	vmul.f32 v12, v12  }
0x6c: {  	v13 =	vor.u32 s21, v0  }
0x6d: {  	vm0 =	veq.s32 v13, v9;
	vm1 =	vgt.u32 v13, $0x3E7;
	v11 =	vadd.f32 v12, v11  }
0x6e: {  	vm0 =	vmor vm0, vm1  }
0x6f: {  	v11 =	vsel vm0, $0x7149F2CA, v11  }
0x70: {  	vm0 =	vlt.f32 v11, s20  }
0x71: {  	v62 =	vsel vm0, $0x1, v2  }
0x72: {  	(xrf0) =	vadd.scan.msk.s32 $0xffff, v62;
	_ =	sdelay $0x5  }
0x73: {  	v12, _, _ =	vpop (xrf0)  }
0x74: {  	v14 =	vxor.u32 $0x80000000, v12  }
0x75: {  	(xrf0) =	vmax.scan.msk.u32 $0xffff, v14;
	_ =	sdelay $0x5  }
0x76: {  	v14, _, _ =	vpop (xrf0)  }
0x77: {  	(v2sf) =	vpush v14, $0xF;
	_ =	sdelay $0xe  }
0x78: {  	v63 =	vsel vm0, $0xFFFFFFFF, v2;
	s30 =	spop (v2sf)  }
0x79: {  	v14 =	vadd.s32 s18, v63;
	s31 =	sadd.s32 s30, s18  }
0x7a: {  	v12 =	vadd.s32 v12, v14;
	s18 =	sadd.s32 $0x80000000, s31  }
0x7b: {  	p0 =	slt.s32 s18, $0xA0  }
.Ltmp6:
0x7c: {  	_ = 	snop;
	(pc) =	sbr.rel @p0 .LBB2_12-.Ltmp6, $3  }
0x7d: {  	_ =	sdelay $0x1  }
0x7e: {  	[tilespmem:v12+s12+$0x0] =	vst.idx.msk vm0, v11  }
0x7f: {  	[tilespmem:v12+s13+$0x0] =	vst.idx.msk vm0, v13  }
0x80: {  	s20 =	sadd.s32 $0xF, s18  }
0x81: {  	s21 =	sand.u32 $0xF, s20  }
0x82: {  	s22 =	sshra.s32 s20, $0x1F;
	p0 =	slt.s32 s20, $0x0;
	p1 =	sne.s32 s21, $0x0  }
0x83: {  	s31 =	sshrl.u32 s22, $0x1C;
	p0 =	por !p0, !p1  }
0x84: {  	s21 =	simm.s32 $0x1;
	s20 =	sadd.s32 s31, s20;
	p0 =	por !p0, !p0  }
0x85: {  	s20 =	sshra.s32 s20, $0x4;
	s21 =	simm.s32 @!p0 $0x0  }
0x86: {  	s20 =	ssub.s32 s20, s21  }
0x87: {  	p0 =	slt.s32 s20, $0x1  }
.Ltmp7:
0x88: {  	_ = 	snop;
	(pc) =	sbr.rel @p0 .LBB2_11-.Ltmp7, $1  }
0x89: {  	_ =	sdelay $0x3  }
0x8a: {  	s21 =	simm.s32 $0x800  }
0x8b: {  	s22 =	simm.s32 $0x900;
	v12 =	vld [tilespmem:s21+$0x0]  }
0x8c: {  	p1 =	sne.s32 s20, $0x1;
	v13 =	vld [tilespmem:s22+$0x0]  }
.Ltmp8:
0x8d: {  	s31 =	simm.s32 $0x0;
	(pc) =	sbr.rel @!p1 .LBB2_6-.Ltmp8, $4  }
0x8e: {  	v11 =	vmov s18;
	v14 =	vor.u32 s31, v0  }
0x8f: {  	vm0 =	vlt.s32 v14, v11  }
0x90: {  	v12 =	vnsel vm0, $0x7149F2CA, v12  }
0x91: {  	s23 =	sadd.s32 $0xFFFFFFFF, s20;
	p0 =	por $0x0, $0x0;
	(xrf1) =	vsort.ascd.msk.f32 $0xffff, v12, v13  }
0x92: {  	_ =	sdelay $0xc  }
0x93: {  	v12, v13, _ =	vpop (xrf1)  }
0x94: {  	v12 =	vperm.xlane v12, v3  }
0x95: {  	v13 =	vperm.xlane v13, v3  }
0x96: {  	vm0 =	vle.f32 v7, v12  }
0x97: {  	s20 =	simm.s32 $0x810;
	v12 =	vsel vm0, v7, v12;
	v13 =	vsel vm0, v6, v13  }
0x98: {  	v14 =	vld [tilespmem:s20+$0x0];
	(xrf1) =	vsort.ascd.msk.f32 $0xffff, v12, v13  }
0x99: {  	s21 =	simm.s32 $0x910  }
0x9a: {  	s22 =	simm.s32 $0x10;
	v15 =	vld [tilespmem:s21+$0x0]  }
0x9b: {  	p1 =	sne.s32 s23, $0x1;
	v16 =	vor.u32 s22, v0  }
.Ltmp9:
0x9c: {  	vm15 =	vlt.s32 v16, v11;
	(pc) =	sbr.rel @!p1 .LBB2_8-.Ltmp9, $3  }
0x9d: {  	v12 =	vnsel vm15, $0x7149F2CA, v14;
	_ =	sdelay $0x1  }
0x9e: {  	(xrf1) =	vsort.ascd.msk.f32 $0xffff, v12, v15  }
0x9f: {  	s23 =	sadd.s32 $0xFFFFFFFF, s23;
	p0 =	por $0x1, $0x1;
	v13 =	vmov v5;
	v12 =	vmov v4  }
.LBB2_9:
0xa0: {  	p1 =	sne.s32 s23, $0x1;
	s23 =	sadd.s32 $0xFFFFFFFF, s23;
	_ =	sdelay $0x8  }
0xa1: {  	v14, v15, _ =	vpop (xrf1)  }
0xa2: {  	v14 =	vperm.xlane v14, v3  }
0xa3: {  	v15 =	vperm.xlane v15, v3  }
0xa4: {  	v16, v17, _ =	vpop (xrf1);
	vm0 =	vle.f32 v13, v14  }
0xa5: {  	v16 =	vperm.xlane v16, v3;
	v18 =	vsel vm0, v14, v13;
	v19 =	vsel vm0, v15, v12  }
0xa6: {  	v13 =	vsel vm0, v13, v14;
	v12 =	vsel vm0, v12, v15;
	(xrf1) =	vsort.ascd.msk.f32 $0xffff, v18, v19  }
0xa7: {  	(xrf1) =	vsort.ascd.msk.f32 $0xffff, v13, v12;
	_ =	sdelay $0xb  }
0xa8: {  	s20 =	sadd.s32 $0x10, s20  }
0xa9: {  	s21 =	sadd.s32 $0x10, s21;
	v15 =	vperm.xlane v17, v3;
	v14 =	vld [tilespmem:s20+$0x0];
	v17, v18, _ =	vpop (xrf1)  }
0xaa: {  	v19 =	vld [tilespmem:s21+$0x0];
	vm0 =	vle.f32 v17, v16;
	v13, v12, _ =	vpop (xrf1)  }
.Ltmp10:
0xab: {  	s22 =	sadd.s32 $0x10, s22;
	v16 =	vsel vm0, v17, v16;
	v15 =	vsel vm0, v18, v15;
	(pc) =	sbr.rel @p1 .LBB2_9-.Ltmp10, $4  }
0xac: {  	v17 =	vor.u32 s22, v0;
	(xrf1) =	vsort.ascd.msk.f32 $0xffff, v16, v15  }
0xad: {  	vm0 =	vlt.s32 v17, v11  }
0xae: {  	v14 =	vnsel vm0, $0x7149F2CA, v14  }
0xaf: {  	(xrf1) =	vsort.ascd.msk.f32 $0xffff, v14, v19  }
.Ltmp11:
0xb0: {  	_ = 	snop;
	(pc) =	sbr.rel .LBB2_10-.Ltmp11, $1  }
0xb1: {  	_ =	sdelay $0x3  }
.LBB2_8:
.Ltmp12:
0xb2: {  	(pc) =	sbr.rel .LBB2_10-.Ltmp12, $2  }
0xb3: {  	_ =	sdelay $0x2  }
0xb4: {  	v13 =	vmov v5;
	v12 =	vmov v4  }
.LBB2_13:
0xb5: {  	s19 =	sadd.s32 $0xF, s18  }
0xb6: {  	s20 =	sand.u32 $0xF, s19  }
0xb7: {  	p0 =	slt.s32 s18, $0xFFFFFFF2;
	s21 =	sshra.s32 s19, $0x1F;
	p1 =	sne.s32 s20, $0x0  }
0xb8: {  	s31 =	sshrl.u32 s21, $0x1C;
	p0 =	por !p0, !p1  }
0xb9: {  	s20 =	simm.s32 $0x1;
	s19 =	sadd.s32 s31, s19;
	p0 =	por !p0, !p0  }
0xba: {  	s19 =	sshra.s32 s19, $0x4;
	s20 =	simm.s32 @!p0 $0x0  }
0xbb: {  	s19 =	ssub.s32 s19, s20  }
0xbc: {  	p0 =	slt.s32 s19, $0x1  }
.Ltmp13:
0xbd: {  	_ = 	snop;
	(pc) =	sbr.rel @p0 .LBB2_20-.Ltmp13, $1  }
0xbe: {  	_ =	sdelay $0x3  }
0xbf: {  	s20 =	simm.s32 $0x800  }
0xc0: {  	s21 =	simm.s32 $0x900;
	v9 =	vld [tilespmem:s20+$0x0]  }
0xc1: {  	p1 =	sne.s32 s19, $0x1;
	v10 =	vld [tilespmem:s21+$0x0]  }
.Ltmp14:
0xc2: {  	s31 =	simm.s32 $0x0;
	(pc) =	sbr.rel @!p1 .LBB2_15-.Ltmp14, $4  }
0xc3: {  	v8 =	vmov s18;
	v11 =	vor.u32 s31, v0  }
0xc4: {  	vm0 =	vlt.s32 v11, v8  }
0xc5: {  	v9 =	vnsel vm0, $0x7149F2CA, v9  }
0xc6: {  	p0 =	por $0x0, $0x0;
	s21 =	sadd.s32 $0xFFFFFFFF, s19;
	(xrf1) =	vsort.ascd.msk.f32 $0xffff, v9, v10  }
0xc7: {  	_ =	sdelay $0xc  }
0xc8: {  	v9, v10, _ =	vpop (xrf1)  }
0xc9: {  	v9 =	vperm.xlane v9, v3  }
0xca: {  	v10 =	vperm.xlane v10, v3  }
0xcb: {  	vm0 =	vle.f32 v7, v9  }
0xcc: {  	s18 =	simm.s32 $0x810;
	v9 =	vsel vm0, v7, v9;
	v10 =	vsel vm0, v6, v10  }
0xcd: {  	v11 =	vld [tilespmem:s18+$0x0];
	(xrf1) =	vsort.ascd.msk.f32 $0xffff, v9, v10  }
0xce: {  	s19 =	simm.s32 $0x910  }
0xcf: {  	s20 =	simm.s32 $0x10;
	v12 =	vld [tilespmem:s19+$0x0]  }
0xd0: {  	p1 =	sne.s32 s21, $0x1;
	v13 =	vor.u32 s20, v0  }
.Ltmp15:
0xd1: {  	vm15 =	vlt.s32 v13, v8;
	(pc) =	sbr.rel @!p1 .LBB2_17-.Ltmp15, $3  }
0xd2: {  	v9 =	vnsel vm15, $0x7149F2CA, v11;
	_ =	sdelay $0x1  }
0xd3: {  	(xrf1) =	vsort.ascd.msk.f32 $0xffff, v9, v12  }
0xd4: {  	s21 =	sadd.s32 $0xFFFFFFFF, s21;
	p0 =	por $0x1, $0x1;
	v10 =	vmov v5;
	v9 =	vmov v4  }
.LBB2_18:
0xd5: {  	p1 =	sne.s32 s21, $0x1;
	s21 =	sadd.s32 $0xFFFFFFFF, s21;
	_ =	sdelay $0x8  }
0xd6: {  	v11, v12, _ =	vpop (xrf1)  }
0xd7: {  	v11 =	vperm.xlane v11, v3  }
0xd8: {  	v12 =	vperm.xlane v12, v3  }
0xd9: {  	v13, v14, _ =	vpop (xrf1);
	vm0 =	vle.f32 v10, v11  }
0xda: {  	v13 =	vperm.xlane v13, v3;
	v15 =	vsel vm0, v11, v10;
	v16 =	vsel vm0, v12, v9  }
0xdb: {  	v10 =	vsel vm0, v10, v11;
	v9 =	vsel vm0, v9, v12;
	(xrf1) =	vsort.ascd.msk.f32 $0xffff, v15, v16  }
0xdc: {  	(xrf1) =	vsort.ascd.msk.f32 $0xffff, v10, v9;
	_ =	sdelay $0xb  }
0xdd: {  	s18 =	sadd.s32 $0x10, s18  }
0xde: {  	s19 =	sadd.s32 $0x10, s19;
	v12 =	vperm.xlane v14, v3;
	v11 =	vld [tilespmem:s18+$0x0];
	v14, v15, _ =	vpop (xrf1)  }
0xdf: {  	v16 =	vld [tilespmem:s19+$0x0];
	vm0 =	vle.f32 v14, v13;
	v10, v9, _ =	vpop (xrf1)  }
.Ltmp16:
0xe0: {  	s20 =	sadd.s32 $0x10, s20;
	v13 =	vsel vm0, v14, v13;
	v12 =	vsel vm0, v15, v12;
	(pc) =	sbr.rel @p1 .LBB2_18-.Ltmp16, $4  }
0xe1: {  	v14 =	vor.u32 s20, v0;
	(xrf1) =	vsort.ascd.msk.f32 $0xffff, v13, v12  }
0xe2: {  	vm0 =	vlt.s32 v14, v8  }
0xe3: {  	v11 =	vnsel vm0, $0x7149F2CA, v11  }
0xe4: {  	(xrf1) =	vsort.ascd.msk.f32 $0xffff, v11, v16  }
.Ltmp17:
0xe5: {  	_ = 	snop;
	(pc) =	sbr.rel .LBB2_19-.Ltmp17, $1  }
0xe6: {  	_ =	sdelay $0x3  }
.LBB2_17:
.Ltmp18:
0xe7: {  	(pc) =	sbr.rel .LBB2_19-.Ltmp18, $2  }
0xe8: {  	_ =	sdelay $0x2  }
0xe9: {  	v10 =	vmov v5;
	v9 =	vmov v4  }
.LBB2_22:
0xea: {  	_ =	sfence.sel $0x180000  }
0xeb: {  	[bflag:$0x0] =	sbarrier.arrive $0xFFFF  }
0xec: {  	p0 =	sne.s32 s1, $0x0;
	_ =	strace $0x90000047  }
0xed: {  	s0 =	sadd.s32 @!p0 $0x100000, s0;
	[bflag:$0x2] =	sbarrier.arrive $0xFFFF  }
0xee: {  	[sflag:s0] =	ssyncadd.tile.s32 @!p0 $0x1;
	_ =	shalt  }
.Lfunc_end2:
_tile_overlayer_lowered:
.L_overlay_start_2:
0xef: {  	(tag) =	ssettag $0x2  }
0xf0: {  	s0 =	rddreg [dreg:$0x0];
	s2 =	stileid.u32  }
0xf1: {  	s1 =	rddreg [dreg:$0x1];
	p0 =	sne.s32 s2, $0x0  }
0xf2: {  	s3 =	rddreg [dreg:$0x2];
	[bflag:$0x3] =	sbarrier.arrive $0xFFFF;
	s2 =	simm.s32 @!p0 $0x1C01  }
0xf3: {  	[timem:s3], [sflag:s2] =	dma.local @!p0 [hbm:s0], s1  }
0xf4: {  	s0 =	simm.s32 @!p0 $0x1  }
0xf5: {  	_ =	swait.ge @!p0 [sflag:s0], s1  }
0xf6: {  	s1 =	ssub.s32 @!p0 $0x0, s1;
	[sflag:s0] =	ssyncset.done @!p0 $0x0  }
0xf7: {  	[sflag:s0] =	ssyncadd.s32 @!p0 s1  }
0xf8: {  	[bflag:$0x3] =	sbarrier.arrive $0xFFFF  }
0xf9: {  	_ =	shalt  }

</sc_bundles>
